<compile_context>
chip_gen: v7x
topology: tpu7x:2x2x1
jax: 0.10.2.dev20260603
libtpu: 0.0.44.dev20260713+nightly
codegen_flags: <defaults>
</compile_context>

<pallas_src>
import functools

import jax
import jax.numpy as jnp
from jax import lax
from jax.experimental import pallas as pl
from jax.experimental.pallas import tpu as pltpu
from jax.experimental.pallas import tpu_sc as plsc

Q = 262144
N = 128
NC = 2
NS = 16
L = 16
NW = NC * NS
PER_W = Q // NW
BLK = 2048
NBLK = PER_W // BLK
GROUPS = BLK // L

_mesh = plsc.VectorSubcoreMesh(core_axis_name="c", subcore_axis_name="s")


@functools.partial(
    pl.kernel,
    mesh=_mesh,
    out_type=[
        jax.ShapeDtypeStruct((Q * 8,), jnp.int32),
        jax.ShapeDtypeStruct((Q * 8,), jnp.float32),
    ],
    scratch_types=[
        pltpu.VMEM((BLK,), jnp.float32),
        pltpu.VMEM((BLK,), jnp.float32),
        pltpu.VMEM((BLK,), jnp.float32),
        pltpu.VMEM((BLK * 8,), jnp.int32),
        pltpu.VMEM((BLK * 8,), jnp.int32),
        pltpu.VMEM((BLK * 8,), jnp.float32),
        pltpu.VMEM((BLK * 8,), jnp.int32),
        pltpu.VMEM((BLK * 8,), jnp.int32),
        pltpu.VMEM((BLK * 8,), jnp.float32),
        pltpu.SemaphoreType.DMA,
        pltpu.SemaphoreType.DMA,
    ],
    compiler_params=pltpu.CompilerParams(needs_layout_passes=False),
)
def _sc_lookup(ux, uy, uz, grid, out_ids, out_w, ux_v, uy_v, uz_v,
               idx0_v, ids0_v, w0_v, idx1_v, ids1_v, w1_v, sem0, sem1):
    wid = lax.axis_index("s") * NC + lax.axis_index("c")
    bufs = ((idx0_v, ids0_v, w0_v, sem0), (idx1_v, ids1_v, w1_v, sem1))
    pending = [None, None]

    for b in range(NBLK):
        idx_v, ids_v, w_v, sem = bufs[b % 2]
        p0 = wid * PER_W + b * BLK
        pltpu.sync_copy(ux.at[pl.ds(p0, BLK)], ux_v)
        pltpu.sync_copy(uy.at[pl.ds(p0, BLK)], uy_v)
        pltpu.sync_copy(uz.at[pl.ds(p0, BLK)], uz_v)

        def body(j, carry):
            s = j * L

            def axis(ref):
                u = ref[pl.ds(s, L)]
                u = jnp.minimum(jnp.maximum(u, 0.0), 127.0)
                i = jnp.minimum(u.astype(jnp.int32), 126)
                f = u - i.astype(jnp.float32)
                return i, f

            xi, fx = axis(ux_v)
            yi, fy = axis(uy_v)
            zi, fz = axis(uz_v)

            base = zi * (N * N) + yi * N + xi
            gx = 1.0 - fx
            gy = 1.0 - fy
            gz = 1.0 - fz
            w00 = gz * gy
            w01 = gz * fy
            w10 = fz * gy
            w11 = fz * fy
            weights = (w00 * gx, w00 * fx, w01 * gx, w01 * fx,
                       w10 * gx, w10 * fx, w11 * gx, w11 * fx)
            offs = (0, 1, N, N + 1,
                    N * N, N * N + 1, N * N + N, N * N + N + 1)

            pos0 = (j >> 3) * (8 * 128) + (j & 7) * L
            for c in range(8):
                idx_v[pl.ds(pos0 + c * 128, L)] = base + offs[c]
                w_v[pl.ds(pos0 + c * 128, L)] = weights[c]
            return carry

        lax.fori_loop(0, GROUPS, body, 0)

        prev = pending[1 - b % 2]
        gather = pltpu.async_copy(grid.at[idx_v], ids_v, sem)
        if prev is not None:
            prev_cp, prev_p0, prev_ids = prev
            prev_cp.wait()
            pltpu.sync_copy(prev_ids, out_ids.at[pl.ds(prev_p0 * 8, BLK * 8)])
        pending[b % 2] = (gather, p0, ids_v)
        pltpu.sync_copy(w_v, out_w.at[pl.ds(p0 * 8, BLK * 8)])

    last_cp, last_p0, last_ids = pending[(NBLK - 1) % 2]
    last_cp.wait()
    pltpu.sync_copy(last_ids, out_ids.at[pl.ds(last_p0 * 8, BLK * 8)])


def kernel(points, grid_id, bbox_min, bbox_max):
    scale = (N - 1.0) / (bbox_max - bbox_min)
    ut = ((points - bbox_min) * scale).T
    ids_f, w_f = _sc_lookup(ut[0], ut[1], ut[2], grid_id.reshape(-1))
    ids = ids_f.reshape(Q // 128, 8, 128).swapaxes(1, 2).reshape(Q, 8)
    w = w_f.reshape(Q // 128, 8, 128).swapaxes(1, 2).reshape(Q, 8)
    return ids, w

# --- scband reference (transcript-rebuilt; emitter-appended) ---
"""Pipeline reference for scband-weight-volume-index-22376779612534 (READ-ONLY COPY).

The authoritative reference and input builder live on the scoring server;
editing this copy changes nothing except your own understanding.
"""

import jax, jax.numpy as jnp
import numpy as np


def setup_inputs(seed: int = 0) -> dict:
    key = jax.random.key(seed)
    k1, k2 = jax.random.split(key)
    Q = 262144
    N = 128
    points = jax.random.uniform(k1, (Q, 3), dtype=jnp.float32)
    grid_id = jax.random.randint(k2, (N, N, N), 0, 100000, dtype=jnp.int32)
    bbox_min = jnp.zeros((3,), jnp.float32)
    bbox_max = jnp.ones((3,), jnp.float32)
    return {"points": points, "grid_id": grid_id, "bbox_min": bbox_min, "bbox_max": bbox_max}


def reference(points, grid_id, bbox_min, bbox_max):
    # forward: normalize points into [-1, 1] over the bbox, then
    # getIdAndWeight: gather 8 surrounding grid cell ids + trilinear weights
    Nz, Ny, Nx = grid_id.shape
    p = (points - bbox_min) / (bbox_max - bbox_min)
    p = p * 2.0 - 1.0
    dims = jnp.array([Nx, Ny, Nz], jnp.float32)
    u = (p + 1.0) * 0.5 * (dims - 1.0)
    u = jnp.clip(u, 0.0, dims - 1.0)
    i0 = jnp.clip(jnp.floor(u), 0.0, dims - 2.0)
    frac = u - i0
    i0i = i0.astype(jnp.int32)
    x0, y0, z0 = i0i[:, 0], i0i[:, 1], i0i[:, 2]
    x1, y1, z1 = x0 + 1, y0 + 1, z0 + 1
    flat = grid_id.reshape(-1)

    def lin(z, y, x):
        return (z * Ny + y) * Nx + x

    ids = jnp.stack([
        jnp.take(flat, lin(z0, y0, x0)),
        jnp.take(flat, lin(z0, y0, x1)),
        jnp.take(flat, lin(z0, y1, x0)),
        jnp.take(flat, lin(z0, y1, x1)),
        jnp.take(flat, lin(z1, y0, x0)),
        jnp.take(flat, lin(z1, y0, x1)),
        jnp.take(flat, lin(z1, y1, x0)),
        jnp.take(flat, lin(z1, y1, x1)),
    ], axis=-1)
    wx, wy, wz = frac[:, 0], frac[:, 1], frac[:, 2]
    weights = jnp.stack([
        (1 - wz) * (1 - wy) * (1 - wx),
        (1 - wz) * (1 - wy) * wx,
        (1 - wz) * wy * (1 - wx),
        (1 - wz) * wy * wx,
        wz * (1 - wy) * (1 - wx),
        wz * (1 - wy) * wx,
        wz * wy * (1 - wx),
        wz * wy * wx,
    ], axis=-1)
    return ids, weights

if __name__ == "__main__":
    import jax
    _d = setup_inputs()
    print(jax.jit(kernel)(*tuple(_d.values())))

</pallas_src>

<mosaic_0001>
#map = affine_map<(d0, d1) -> (0)>
module attributes {stable_mosaic.version = 14 : i64} {
  func.func @_sc_lookup(%arg0: i32, %arg1: i32, %arg2: memref<262144xf32, #tpu.memory_space<hbm>>, %arg3: memref<262144xf32, #tpu.memory_space<hbm>>, %arg4: memref<262144xf32, #tpu.memory_space<hbm>>, %arg5: memref<2097152xi32, #tpu.memory_space<hbm>>, %arg6: memref<2097152xi32, #tpu.memory_space<hbm>>, %arg7: memref<2097152xf32, #tpu.memory_space<hbm>>, %arg8: memref<2048xf32, #tpu.memory_space<vmem>>, %arg9: memref<2048xf32, #tpu.memory_space<vmem>>, %arg10: memref<2048xf32, #tpu.memory_space<vmem>>, %arg11: memref<16384xi32, #tpu.memory_space<vmem>>, %arg12: memref<16384xi32, #tpu.memory_space<vmem>>, %arg13: memref<16384xf32, #tpu.memory_space<vmem>>, %arg14: memref<16384xi32, #tpu.memory_space<vmem>>, %arg15: memref<16384xi32, #tpu.memory_space<vmem>>, %arg16: memref<16384xf32, #tpu.memory_space<vmem>>, %arg17: memref<!tpu.dma_semaphore, #tpu.memory_space<semaphore_mem>>, %arg18: memref<!tpu.dma_semaphore, #tpu.memory_space<semaphore_mem>>) attributes {dimension_semantics = [#tpu.dimension_semantics<core_parallel>, #tpu.dimension_semantics<subcore_parallel>], iteration_bounds = array<i64: 2, 16>, scalar_prefetch = 0 : i64, scratch_operands = 11 : i64, tpu.core_type = #tpu.core_type<sc_vector_subcore>, window_params = [{transform_indices = #map}, {transform_indices = #map}, {transform_indices = #map}, {transform_indices = #map}, {transform_indices = #map}, {transform_indices = #map}]} {
    %mul3A = arith.constant 2 : i32
    %mul3A_0 = arith.muli %arg1, %mul3A : i32
    %add3A = arith.addi %mul3A_0, %arg0 : i32
    %mul3A_1 = arith.constant 8192 : i32
    %mul3A_2 = arith.muli %add3A, %mul3A_1 : i32
    %add3A_3 = arith.constant 0 : i32
    %add3A_4 = arith.addi %mul3A_2, %add3A_3 : i32
    "tpu.region"() ({
      %run_scoped3A = tpu.sem_alloc : memref<!tpu.dma_semaphore, #tpu.memory_space<semaphore_mem>>
      %dma_start3A_70 = tpu.memref_slice %arg2[%add3A_4] : memref<262144xf32, #tpu.memory_space<hbm>> -> memref<2048xf32, #tpu.memory_space<hbm>>
      %dma_start3A_71 = tpu.memref_slice %arg2[%add3A_4] : memref<262144xf32, #tpu.memory_space<hbm>> -> memref<2048xf32, #tpu.memory_space<hbm>>
      tpu.enqueue_dma source(%dma_start3A_71 : memref<2048xf32, #tpu.memory_space<hbm>>) target(%arg8 : memref<2048xf32, #tpu.memory_space<vmem>>) target_semaphore(%run_scoped3A : memref<!tpu.dma_semaphore, #tpu.memory_space<semaphore_mem>>)
      %dma_wait3A_72 = tpu.memref_slice %arg2[%add3A_4] : memref<262144xf32, #tpu.memory_space<hbm>> -> memref<2048xf32, #tpu.memory_space<hbm>>
      %dma_wait3A_73 = tpu.memref_slice %arg2[%add3A_4] : memref<262144xf32, #tpu.memory_space<hbm>> -> memref<2048xf32, #tpu.memory_space<hbm>>
      tpu.wait_dma2 semaphore(%run_scoped3A : memref<!tpu.dma_semaphore, #tpu.memory_space<semaphore_mem>>) src(%dma_wait3A_73 : memref<2048xf32, #tpu.memory_space<hbm>>) dst(%arg8 : memref<2048xf32, #tpu.memory_space<vmem>>)
      tpu.yield
    }) : () -> ()
    "tpu.region"() ({
      %run_scoped3A = tpu.sem_alloc : memref<!tpu.dma_semaphore, #tpu.memory_space<semaphore_mem>>
      %dma_start3A_70 = tpu.memref_slice %arg3[%add3A_4] : memref<262144xf32, #tpu.memory_space<hbm>> -> memref<2048xf32, #tpu.memory_space<hbm>>
      %dma_start3A_71 = tpu.memref_slice %arg3[%add3A_4] : memref<262144xf32, #tpu.memory_space<hbm>> -> memref<2048xf32, #tpu.memory_space<hbm>>
      tpu.enqueue_dma source(%dma_start3A_71 : memref<2048xf32, #tpu.memory_space<hbm>>) target(%arg9 : memref<2048xf32, #tpu.memory_space<vmem>>) target_semaphore(%run_scoped3A : memref<!tpu.dma_semaphore, #tpu.memory_space<semaphore_mem>>)
      %dma_wait3A_72 = tpu.memref_slice %arg3[%add3A_4] : memref<262144xf32, #tpu.memory_space<hbm>> -> memref<2048xf32, #tpu.memory_space<hbm>>
      %dma_wait3A_73 = tpu.memref_slice %arg3[%add3A_4] : memref<262144xf32, #tpu.memory_space<hbm>> -> memref<2048xf32, #tpu.memory_space<hbm>>
      tpu.wait_dma2 semaphore(%run_scoped3A : memref<!tpu.dma_semaphore, #tpu.memory_space<semaphore_mem>>) src(%dma_wait3A_73 : memref<2048xf32, #tpu.memory_space<hbm>>) dst(%arg9 : memref<2048xf32, #tpu.memory_space<vmem>>)
      tpu.yield
    }) : () -> ()
    "tpu.region"() ({
      %run_scoped3A = tpu.sem_alloc : memref<!tpu.dma_semaphore, #tpu.memory_space<semaphore_mem>>
      %dma_start3A_70 = tpu.memref_slice %arg4[%add3A_4] : memref<262144xf32, #tpu.memory_space<hbm>> -> memref<2048xf32, #tpu.memory_space<hbm>>
      %dma_start3A_71 = tpu.memref_slice %arg4[%add3A_4] : memref<262144xf32, #tpu.memory_space<hbm>> -> memref<2048xf32, #tpu.memory_space<hbm>>
      tpu.enqueue_dma source(%dma_start3A_71 : memref<2048xf32, #tpu.memory_space<hbm>>) target(%arg10 : memref<2048xf32, #tpu.memory_space<vmem>>) target_semaphore(%run_scoped3A : memref<!tpu.dma_semaphore, #tpu.memory_space<semaphore_mem>>)
      %dma_wait3A_72 = tpu.memref_slice %arg4[%add3A_4] : memref<262144xf32, #tpu.memory_space<hbm>> -> memref<2048xf32, #tpu.memory_space<hbm>>
      %dma_wait3A_73 = tpu.memref_slice %arg4[%add3A_4] : memref<262144xf32, #tpu.memory_space<hbm>> -> memref<2048xf32, #tpu.memory_space<hbm>>
      tpu.wait_dma2 semaphore(%run_scoped3A : memref<!tpu.dma_semaphore, #tpu.memory_space<semaphore_mem>>) src(%dma_wait3A_73 : memref<2048xf32, #tpu.memory_space<hbm>>) dst(%arg10 : memref<2048xf32, #tpu.memory_space<vmem>>)
      tpu.yield
    }) : () -> ()
    %scan3A = arith.constant 0 : i32
    %scan3A_5 = arith.constant 0 : i32
    %scan3A_6 = arith.constant 128 : i32
    %scan3A_7 = arith.addi %scan3A_5, %scan3A_6 : i32
    %scan3A_8 = arith.constant 1 : i32
    scf.for %scan3A_70 = %scan3A_5 to %scan3A_7 step %scan3A_8  : i32 {
      %mul3A_71 = arith.constant 16 : i32
      %mul3A_72 = arith.muli %scan3A_70, %mul3A_71 : i32
      %get3A = arith.index_cast %mul3A_72 : i32 to index
      %get3A_73 = tpu.vector_load %arg8[%get3A] {strides = array<i32>} : memref<2048xf32, #tpu.memory_space<vmem>>, vector<16xf32>,
      %max3A = arith.constant 0.000000e+00 : f32
      %max3A_74 = vector.broadcast %max3A : f32 to vector<16xf32>
      %max3A_75 = arith.maximumf %get3A_73, %max3A_74 : vector<16xf32>
      %min3A = arith.constant 1.270000e+02 : f32
      %min3A_76 = vector.broadcast %min3A : f32 to vector<16xf32>
      %min3A_77 = arith.minimumf %max3A_75, %min3A_76 : vector<16xf32>
      %convert_element_type3A = arith.fptosi %min3A_77 : vector<16xf32> to vector<16xi32>
      %min3A_78 = arith.constant 126 : i32
      %min3A_79 = vector.broadcast %min3A_78 : i32 to vector<16xi32>
      %min3A_80 = arith.minsi %convert_element_type3A, %min3A_79 : vector<16xi32>
      %convert_element_type3A_81 = arith.sitofp %min3A_80 : vector<16xi32> to vector<16xf32>
      %sub3A = arith.subf %min3A_77, %convert_element_type3A_81 : vector<16xf32>
      %get3A_82 = arith.index_cast %mul3A_72 : i32 to index
      %get3A_83 = tpu.vector_load %arg9[%get3A_82] {strides = array<i32>} : memref<2048xf32, #tpu.memory_space<vmem>>, vector<16xf32>,
      %max3A_84 = arith.constant 0.000000e+00 : f32
      %max3A_85 = vector.broadcast %max3A_84 : f32 to vector<16xf32>
      %max3A_86 = arith.maximumf %get3A_83, %max3A_85 : vector<16xf32>
      %min3A_87 = arith.constant 1.270000e+02 : f32
      %min3A_88 = vector.broadcast %min3A_87 : f32 to vector<16xf32>
      %min3A_89 = arith.minimumf %max3A_86, %min3A_88 : vector<16xf32>
      %convert_element_type3A_90 = arith.fptosi %min3A_89 : vector<16xf32> to vector<16xi32>
      %min3A_91 = arith.constant 126 : i32
      %min3A_92 = vector.broadcast %min3A_91 : i32 to vector<16xi32>
      %min3A_93 = arith.minsi %convert_element_type3A_90, %min3A_92 : vector<16xi32>
      %convert_element_type3A_94 = arith.sitofp %min3A_93 : vector<16xi32> to vector<16xf32>
      %sub3A_95 = arith.subf %min3A_89, %convert_element_type3A_94 : vector<16xf32>
      %get3A_96 = arith.index_cast %mul3A_72 : i32 to index
      %get3A_97 = tpu.vector_load %arg10[%get3A_96] {strides = array<i32>} : memref<2048xf32, #tpu.memory_space<vmem>>, vector<16xf32>,
      %max3A_98 = arith.constant 0.000000e+00 : f32
      %max3A_99 = vector.broadcast %max3A_98 : f32 to vector<16xf32>
      %max3A_100 = arith.maximumf %get3A_97, %max3A_99 : vector<16xf32>
      %min3A_101 = arith.constant 1.270000e+02 : f32
      %min3A_102 = vector.broadcast %min3A_101 : f32 to vector<16xf32>
      %min3A_103 = arith.minimumf %max3A_100, %min3A_102 : vector<16xf32>
      %convert_element_type3A_104 = arith.fptosi %min3A_103 : vector<16xf32> to vector<16xi32>
      %min3A_105 = arith.constant 126 : i32
      %min3A_106 = vector.broadcast %min3A_105 : i32 to vector<16xi32>
      %min3A_107 = arith.minsi %convert_element_type3A_104, %min3A_106 : vector<16xi32>
      %convert_element_type3A_108 = arith.sitofp %min3A_107 : vector<16xi32> to vector<16xf32>
      %sub3A_109 = arith.subf %min3A_103, %convert_element_type3A_108 : vector<16xf32>
      %mul3A_110 = arith.constant 16384 : i32
      %mul3A_111 = vector.broadcast %mul3A_110 : i32 to vector<16xi32>
      %mul3A_112 = arith.muli %min3A_107, %mul3A_111 : vector<16xi32>
      %mul3A_113 = arith.constant 128 : i32
      %mul3A_114 = vector.broadcast %mul3A_113 : i32 to vector<16xi32>
      %mul3A_115 = arith.muli %min3A_93, %mul3A_114 : vector<16xi32>
      %add3A_116 = arith.addi %mul3A_112, %mul3A_115 : vector<16xi32>
      %add3A_117 = arith.addi %add3A_116, %min3A_80 : vector<16xi32>
      %sub3A_118 = arith.constant 1.000000e+00 : f32
      %sub3A_119 = vector.broadcast %sub3A_118 : f32 to vector<16xf32>
      %sub3A_120 = arith.subf %sub3A_119, %sub3A : vector<16xf32>
      %sub3A_121 = arith.constant 1.000000e+00 : f32
      %sub3A_122 = vector.broadcast %sub3A_121 : f32 to vector<16xf32>
      %sub3A_123 = arith.subf %sub3A_122, %sub3A_95 : vector<16xf32>
      %sub3A_124 = arith.constant 1.000000e+00 : f32
      %sub3A_125 = vector.broadcast %sub3A_124 : f32 to vector<16xf32>
      %sub3A_126 = arith.subf %sub3A_125, %sub3A_109 : vector<16xf32>
      %mul3A_127 = arith.mulf %sub3A_126, %sub3A_123 : vector<16xf32>
      %mul3A_128 = arith.mulf %sub3A_126, %sub3A_95 : vector<16xf32>
      %mul3A_129 = arith.mulf %sub3A_109, %sub3A_123 : vector<16xf32>
      %mul3A_130 = arith.mulf %sub3A_109, %sub3A_95 : vector<16xf32>
      %mul3A_131 = arith.mulf %mul3A_127, %sub3A_120 : vector<16xf32>
      %mul3A_132 = arith.mulf %mul3A_127, %sub3A : vector<16xf32>
      %mul3A_133 = arith.mulf %mul3A_128, %sub3A_120 : vector<16xf32>
      %mul3A_134 = arith.mulf %mul3A_128, %sub3A : vector<16xf32>
      %mul3A_135 = arith.mulf %mul3A_129, %sub3A_120 : vector<16xf32>
      %mul3A_136 = arith.mulf %mul3A_129, %sub3A : vector<16xf32>
      %mul3A_137 = arith.mulf %mul3A_130, %sub3A_120 : vector<16xf32>
      %mul3A_138 = arith.mulf %mul3A_130, %sub3A : vector<16xf32>
      %shift_right_arithmetic3A = arith.constant 3 : i32
      %shift_right_arithmetic3A_139 = arith.shrsi %scan3A_70, %shift_right_arithmetic3A : i32
      %mul3A_140 = arith.constant 1024 : i32
      %mul3A_141 = arith.muli %shift_right_arithmetic3A_139, %mul3A_140 : i32
      %and3A = arith.constant 7 : i32
      %and3A_142 = arith.andi %scan3A_70, %and3A : i32
      %mul3A_143 = arith.constant 16 : i32
      %mul3A_144 = arith.muli %and3A_142, %mul3A_143 : i32
      %add3A_145 = arith.addi %mul3A_141, %mul3A_144 : i32
      %add3A_146 = arith.constant 0 : i32
      %add3A_147 = vector.broadcast %add3A_146 : i32 to vector<16xi32>
      %add3A_148 = arith.addi %add3A_117, %add3A_147 : vector<16xi32>
      %add3A_149 = arith.constant 0 : i32
      %add3A_150 = arith.addi %add3A_145, %add3A_149 : i32
      %swap3A = arith.index_cast %add3A_150 : i32 to index
      %swap3A_151 = tpu.vector_load %arg11[%swap3A] {strides = array<i32>} : memref<16384xi32, #tpu.memory_space<vmem>>, vector<16xi32>,
      tpu.vector_store %arg11[%swap3A], %add3A_148 {strides = array<i32>} : memref<16384xi32, #tpu.memory_space<vmem>>, vector<16xi32>,
      %add3A_152 = arith.constant 0 : i32
      %add3A_153 = arith.addi %add3A_145, %add3A_152 : i32
      %swap3A_154 = arith.index_cast %add3A_153 : i32 to index
      %swap3A_155 = tpu.vector_load %arg13[%swap3A_154] {strides = array<i32>} : memref<16384xf32, #tpu.memory_space<vmem>>, vector<16xf32>,
      tpu.vector_store %arg13[%swap3A_154], %mul3A_131 {strides = array<i32>} : memref<16384xf32, #tpu.memory_space<vmem>>, vector<16xf32>,
      %add3A_156 = arith.constant 1 : i32
      %add3A_157 = vector.broadcast %add3A_156 : i32 to vector<16xi32>
      %add3A_158 = arith.addi %add3A_117, %add3A_157 : vector<16xi32>
      %add3A_159 = arith.constant 128 : i32
      %add3A_160 = arith.addi %add3A_145, %add3A_159 : i32
      %swap3A_161 = arith.index_cast %add3A_160 : i32 to index
      %swap3A_162 = tpu.vector_load %arg11[%swap3A_161] {strides = array<i32>} : memref<16384xi32, #tpu.memory_space<vmem>>, vector<16xi32>,
      tpu.vector_store %arg11[%swap3A_161], %add3A_158 {strides = array<i32>} : memref<16384xi32, #tpu.memory_space<vmem>>, vector<16xi32>,
      %add3A_163 = arith.constant 128 : i32
      %add3A_164 = arith.addi %add3A_145, %add3A_163 : i32
      %swap3A_165 = arith.index_cast %add3A_164 : i32 to index
      %swap3A_166 = tpu.vector_load %arg13[%swap3A_165] {strides = array<i32>} : memref<16384xf32, #tpu.memory_space<vmem>>, vector<16xf32>,
      tpu.vector_store %arg13[%swap3A_165], %mul3A_132 {strides = array<i32>} : memref<16384xf32, #tpu.memory_space<vmem>>, vector<16xf32>,
      %add3A_167 = arith.constant 128 : i32
      %add3A_168 = vector.broadcast %add3A_167 : i32 to vector<16xi32>
      %add3A_169 = arith.addi %add3A_117, %add3A_168 : vector<16xi32>
      %add3A_170 = arith.constant 256 : i32
      %add3A_171 = arith.addi %add3A_145, %add3A_170 : i32
      %swap3A_172 = arith.index_cast %add3A_171 : i32 to index
      %swap3A_173 = tpu.vector_load %arg11[%swap3A_172] {strides = array<i32>} : memref<16384xi32, #tpu.memory_space<vmem>>, vector<16xi32>,
      tpu.vector_store %arg11[%swap3A_172], %add3A_169 {strides = array<i32>} : memref<16384xi32, #tpu.memory_space<vmem>>, vector<16xi32>,
      %add3A_174 = arith.constant 256 : i32
      %add3A_175 = arith.addi %add3A_145, %add3A_174 : i32
      %swap3A_176 = arith.index_cast %add3A_175 : i32 to index
      %swap3A_177 = tpu.vector_load %arg13[%swap3A_176] {strides = array<i32>} : memref<16384xf32, #tpu.memory_space<vmem>>, vector<16xf32>,
      tpu.vector_store %arg13[%swap3A_176], %mul3A_133 {strides = array<i32>} : memref<16384xf32, #tpu.memory_space<vmem>>, vector<16xf32>,
      %add3A_178 = arith.constant 129 : i32
      %add3A_179 = vector.broadcast %add3A_178 : i32 to vector<16xi32>
      %add3A_180 = arith.addi %add3A_117, %add3A_179 : vector<16xi32>
      %add3A_181 = arith.constant 384 : i32
      %add3A_182 = arith.addi %add3A_145, %add3A_181 : i32
      %swap3A_183 = arith.index_cast %add3A_182 : i32 to index
      %swap3A_184 = tpu.vector_load %arg11[%swap3A_183] {strides = array<i32>} : memref<16384xi32, #tpu.memory_space<vmem>>, vector<16xi32>,
      tpu.vector_store %arg11[%swap3A_183], %add3A_180 {strides = array<i32>} : memref<16384xi32, #tpu.memory_space<vmem>>, vector<16xi32>,
      %add3A_185 = arith.constant 384 : i32
      %add3A_186 = arith.addi %add3A_145, %add3A_185 : i32
      %swap3A_187 = arith.index_cast %add3A_186 : i32 to index
      %swap3A_188 = tpu.vector_load %arg13[%swap3A_187] {strides = array<i32>} : memref<16384xf32, #tpu.memory_space<vmem>>, vector<16xf32>,
      tpu.vector_store %arg13[%swap3A_187], %mul3A_134 {strides = array<i32>} : memref<16384xf32, #tpu.memory_space<vmem>>, vector<16xf32>,
      %add3A_189 = arith.constant 16384 : i32
      %add3A_190 = vector.broadcast %add3A_189 : i32 to vector<16xi32>
      %add3A_191 = arith.addi %add3A_117, %add3A_190 : vector<16xi32>
      %add3A_192 = arith.constant 512 : i32
      %add3A_193 = arith.addi %add3A_145, %add3A_192 : i32
      %swap3A_194 = arith.index_cast %add3A_193 : i32 to index
      %swap3A_195 = tpu.vector_load %arg11[%swap3A_194] {strides = array<i32>} : memref<16384xi32, #tpu.memory_space<vmem>>, vector<16xi32>,
      tpu.vector_store %arg11[%swap3A_194], %add3A_191 {strides = array<i32>} : memref<16384xi32, #tpu.memory_space<vmem>>, vector<16xi32>,
      %add3A_196 = arith.constant 512 : i32
      %add3A_197 = arith.addi %add3A_145, %add3A_196 : i32
      %swap3A_198 = arith.index_cast %add3A_197 : i32 to index
      %swap3A_199 = tpu.vector_load %arg13[%swap3A_198] {strides = array<i32>} : memref<16384xf32, #tpu.memory_space<vmem>>, vector<16xf32>,
      tpu.vector_store %arg13[%swap3A_198], %mul3A_135 {strides = array<i32>} : memref<16384xf32, #tpu.memory_space<vmem>>, vector<16xf32>,
      %add3A_200 = arith.constant 16385 : i32
      %add3A_201 = vector.broadcast %add3A_200 : i32 to vector<16xi32>
      %add3A_202 = arith.addi %add3A_117, %add3A_201 : vector<16xi32>
      %add3A_203 = arith.constant 640 : i32
      %add3A_204 = arith.addi %add3A_145, %add3A_203 : i32
      %swap3A_205 = arith.index_cast %add3A_204 : i32 to index
      %swap3A_206 = tpu.vector_load %arg11[%swap3A_205] {strides = array<i32>} : memref<16384xi32, #tpu.memory_space<vmem>>, vector<16xi32>,
      tpu.vector_store %arg11[%swap3A_205], %add3A_202 {strides = array<i32>} : memref<16384xi32, #tpu.memory_space<vmem>>, vector<16xi32>,
      %add3A_207 = arith.constant 640 : i32
      %add3A_208 = arith.addi %add3A_145, %add3A_207 : i32
      %swap3A_209 = arith.index_cast %add3A_208 : i32 to index
      %swap3A_210 = tpu.vector_load %arg13[%swap3A_209] {strides = array<i32>} : memref<16384xf32, #tpu.memory_space<vmem>>, vector<16xf32>,
      tpu.vector_store %arg13[%swap3A_209], %mul3A_136 {strides = array<i32>} : memref<16384xf32, #tpu.memory_space<vmem>>, vector<16xf32>,
      %add3A_211 = arith.constant 16512 : i32
      %add3A_212 = vector.broadcast %add3A_211 : i32 to vector<16xi32>
      %add3A_213 = arith.addi %add3A_117, %add3A_212 : vector<16xi32>
      %add3A_214 = arith.constant 768 : i32
      %add3A_215 = arith.addi %add3A_145, %add3A_214 : i32
      %swap3A_216 = arith.index_cast %add3A_215 : i32 to index
      %swap3A_217 = tpu.vector_load %arg11[%swap3A_216] {strides = array<i32>} : memref<16384xi32, #tpu.memory_space<vmem>>, vector<16xi32>,
      tpu.vector_store %arg11[%swap3A_216], %add3A_213 {strides = array<i32>} : memref<16384xi32, #tpu.memory_space<vmem>>, vector<16xi32>,
      %add3A_218 = arith.constant 768 : i32
      %add3A_219 = arith.addi %add3A_145, %add3A_218 : i32
      %swap3A_220 = arith.index_cast %add3A_219 : i32 to index
      %swap3A_221 = tpu.vector_load %arg13[%swap3A_220] {strides = array<i32>} : memref<16384xf32, #tpu.memory_space<vmem>>, vector<16xf32>,
      tpu.vector_store %arg13[%swap3A_220], %mul3A_137 {strides = array<i32>} : memref<16384xf32, #tpu.memory_space<vmem>>, vector<16xf32>,
      %add3A_222 = arith.constant 16513 : i32
      %add3A_223 = vector.broadcast %add3A_222 : i32 to vector<16xi32>
      %add3A_224 = arith.addi %add3A_117, %add3A_223 : vector<16xi32>
      %add3A_225 = arith.constant 896 : i32
      %add3A_226 = arith.addi %add3A_145, %add3A_225 : i32
      %swap3A_227 = arith.index_cast %add3A_226 : i32 to index
      %swap3A_228 = tpu.vector_load %arg11[%swap3A_227] {strides = array<i32>} : memref<16384xi32, #tpu.memory_space<vmem>>, vector<16xi32>,
      tpu.vector_store %arg11[%swap3A_227], %add3A_224 {strides = array<i32>} : memref<16384xi32, #tpu.memory_space<vmem>>, vector<16xi32>,
      %add3A_229 = arith.constant 896 : i32
      %add3A_230 = arith.addi %add3A_145, %add3A_229 : i32
      %swap3A_231 = arith.index_cast %add3A_230 : i32 to index
      %swap3A_232 = tpu.vector_load %arg13[%swap3A_231] {strides = array<i32>} : memref<16384xf32, #tpu.memory_space<vmem>>, vector<16xf32>,
      tpu.vector_store %arg13[%swap3A_231], %mul3A_138 {strides = array<i32>} : memref<16384xf32, #tpu.memory_space<vmem>>, vector<16xf32>,
    }
    %scan3A_9 = arith.constant 128 : i32
    %dma_start3A = arith.constant 0 : i32
    %dma_start3A_10 = tpu.memref_slice %arg5[%dma_start3A] : memref<2097152xi32, #tpu.memory_space<hbm>> -> memref<2097152xi32, #tpu.memory_space<hbm>>
    tpu.enqueue_indirect_dma source(%dma_start3A_10 : memref<2097152xi32, #tpu.memory_space<hbm>>) target(%arg12 : memref<16384xi32, #tpu.memory_space<vmem>>) offsets(%arg11 : memref<16384xi32, #tpu.memory_space<vmem>>) semaphore(%arg17 : memref<!tpu.dma_semaphore, #tpu.memory_space<semaphore_mem>>)
    %mul3A_11 = arith.constant 8 : i32
    %mul3A_12 = arith.muli %add3A_4, %mul3A_11 : i32
    "tpu.region"() ({
      %run_scoped3A = tpu.sem_alloc : memref<!tpu.dma_semaphore, #tpu.memory_space<semaphore_mem>>
      %dma_start3A_70 = tpu.memref_slice %arg7[%mul3A_12] : memref<2097152xf32, #tpu.memory_space<hbm>> -> memref<16384xf32, #tpu.memory_space<hbm>>
      %dma_start3A_71 = tpu.memref_slice %arg7[%mul3A_12] : memref<2097152xf32, #tpu.memory_space<hbm>> -> memref<16384xf32, #tpu.memory_space<hbm>>
      tpu.enqueue_dma source(%arg13 : memref<16384xf32, #tpu.memory_space<vmem>>) target(%dma_start3A_71 : memref<16384xf32, #tpu.memory_space<hbm>>) target_semaphore(%run_scoped3A : memref<!tpu.dma_semaphore, #tpu.memory_space<semaphore_mem>>)
      %dma_wait3A_72 = tpu.memref_slice %arg7[%mul3A_12] : memref<2097152xf32, #tpu.memory_space<hbm>> -> memref<16384xf32, #tpu.memory_space<hbm>>
      %dma_wait3A_73 = tpu.memref_slice %arg7[%mul3A_12] : memref<2097152xf32, #tpu.memory_space<hbm>> -> memref<16384xf32, #tpu.memory_space<hbm>>
      tpu.wait_dma2 semaphore(%run_scoped3A : memref<!tpu.dma_semaphore, #tpu.memory_space<semaphore_mem>>) src(%arg13 : memref<16384xf32, #tpu.memory_space<vmem>>) dst(%dma_wait3A_73 : memref<16384xf32, #tpu.memory_space<hbm>>)
      tpu.yield
    }) : () -> ()
    %mul3A_13 = arith.constant 8192 : i32
    %mul3A_14 = arith.muli %add3A, %mul3A_13 : i32
    %add3A_15 = arith.constant 2048 : i32
    %add3A_16 = arith.addi %mul3A_14, %add3A_15 : i32
    "tpu.region"() ({
      %run_scoped3A = tpu.sem_alloc : memref<!tpu.dma_semaphore, #tpu.memory_space<semaphore_mem>>
      %dma_start3A_70 = tpu.memref_slice %arg2[%add3A_16] : memref<262144xf32, #tpu.memory_space<hbm>> -> memref<2048xf32, #tpu.memory_space<hbm>>
      %dma_start3A_71 = tpu.memref_slice %arg2[%add3A_16] : memref<262144xf32, #tpu.memory_space<hbm>> -> memref<2048xf32, #tpu.memory_space<hbm>>
      tpu.enqueue_dma source(%dma_start3A_71 : memref<2048xf32, #tpu.memory_space<hbm>>) target(%arg8 : memref<2048xf32, #tpu.memory_space<vmem>>) target_semaphore(%run_scoped3A : memref<!tpu.dma_semaphore, #tpu.memory_space<semaphore_mem>>)
      %dma_wait3A_72 = tpu.memref_slice %arg2[%add3A_16] : memref<262144xf32, #tpu.memory_space<hbm>> -> memref<2048xf32, #tpu.memory_space<hbm>>
      %dma_wait3A_73 = tpu.memref_slice %arg2[%add3A_16] : memref<262144xf32, #tpu.memory_space<hbm>> -> memref<2048xf32, #tpu.memory_space<hbm>>
      tpu.wait_dma2 semaphore(%run_scoped3A : memref<!tpu.dma_semaphore, #tpu.memory_space<semaphore_mem>>) src(%dma_wait3A_73 : memref<2048xf32, #tpu.memory_space<hbm>>) dst(%arg8 : memref<2048xf32, #tpu.memory_space<vmem>>)
      tpu.yield
    }) : () -> ()
    "tpu.region"() ({
      %run_scoped3A = tpu.sem_alloc : memref<!tpu.dma_semaphore, #tpu.memory_space<semaphore_mem>>
      %dma_start3A_70 = tpu.memref_slice %arg3[%add3A_16] : memref<262144xf32, #tpu.memory_space<hbm>> -> memref<2048xf32, #tpu.memory_space<hbm>>
      %dma_start3A_71 = tpu.memref_slice %arg3[%add3A_16] : memref<262144xf32, #tpu.memory_space<hbm>> -> memref<2048xf32, #tpu.memory_space<hbm>>
      tpu.enqueue_dma source(%dma_start3A_71 : memref<2048xf32, #tpu.memory_space<hbm>>) target(%arg9 : memref<2048xf32, #tpu.memory_space<vmem>>) target_semaphore(%run_scoped3A : memref<!tpu.dma_semaphore, #tpu.memory_space<semaphore_mem>>)
      %dma_wait3A_72 = tpu.memref_slice %arg3[%add3A_16] : memref<262144xf32, #tpu.memory_space<hbm>> -> memref<2048xf32, #tpu.memory_space<hbm>>
      %dma_wait3A_73 = tpu.memref_slice %arg3[%add3A_16] : memref<262144xf32, #tpu.memory_space<hbm>> -> memref<2048xf32, #tpu.memory_space<hbm>>
      tpu.wait_dma2 semaphore(%run_scoped3A : memref<!tpu.dma_semaphore, #tpu.memory_space<semaphore_mem>>) src(%dma_wait3A_73 : memref<2048xf32, #tpu.memory_space<hbm>>) dst(%arg9 : memref<2048xf32, #tpu.memory_space<vmem>>)
      tpu.yield
    }) : () -> ()
    "tpu.region"() ({
      %run_scoped3A = tpu.sem_alloc : memref<!tpu.dma_semaphore, #tpu.memory_space<semaphore_mem>>
      %dma_start3A_70 = tpu.memref_slice %arg4[%add3A_16] : memref<262144xf32, #tpu.memory_space<hbm>> -> memref<2048xf32, #tpu.memory_space<hbm>>
      %dma_start3A_71 = tpu.memref_slice %arg4[%add3A_16] : memref<262144xf32, #tpu.memory_space<hbm>> -> memref<2048xf32, #tpu.memory_space<hbm>>
      tpu.enqueue_dma source(%dma_start3A_71 : memref<2048xf32, #tpu.memory_space<hbm>>) target(%arg10 : memref<2048xf32, #tpu.memory_space<vmem>>) target_semaphore(%run_scoped3A : memref<!tpu.dma_semaphore, #tpu.memory_space<semaphore_mem>>)
      %dma_wait3A_72 = tpu.memref_slice %arg4[%add3A_16] : memref<262144xf32, #tpu.memory_space<hbm>> -> memref<2048xf32, #tpu.memory_space<hbm>>
      %dma_wait3A_73 = tpu.memref_slice %arg4[%add3A_16] : memref<262144xf32, #tpu.memory_space<hbm>> -> memref<2048xf32, #tpu.memory_space<hbm>>
      tpu.wait_dma2 semaphore(%run_scoped3A : memref<!tpu.dma_semaphore, #tpu.memory_space<semaphore_mem>>) src(%dma_wait3A_73 : memref<2048xf32, #tpu.memory_space<hbm>>) dst(%arg10 : memref<2048xf32, #tpu.memory_space<vmem>>)
      tpu.yield
    }) : () -> ()
    %scan3A_17 = arith.constant 0 : i32
    %scan3A_18 = arith.constant 0 : i32
    %scan3A_19 = arith.constant 128 : i32
    %scan3A_20 = arith.addi %scan3A_18, %scan3A_19 : i32
    %scan3A_21 = arith.constant 1 : i32
    scf.for %scan3A_70 = %scan3A_18 to %scan3A_20 step %scan3A_21  : i32 {
      %mul3A_71 = arith.constant 16 : i32
      %mul3A_72 = arith.muli %scan3A_70, %mul3A_71 : i32
      %get3A = arith.index_cast %mul3A_72 : i32 to index
      %get3A_73 = tpu.vector_load %arg8[%get3A] {strides = array<i32>} : memref<2048xf32, #tpu.memory_space<vmem>>, vector<16xf32>,
      %max3A = arith.constant 0.000000e+00 : f32
      %max3A_74 = vector.broadcast %max3A : f32 to vector<16xf32>
      %max3A_75 = arith.maximumf %get3A_73, %max3A_74 : vector<16xf32>
      %min3A = arith.constant 1.270000e+02 : f32
      %min3A_76 = vector.broadcast %min3A : f32 to vector<16xf32>
      %min3A_77 = arith.minimumf %max3A_75, %min3A_76 : vector<16xf32>
      %convert_element_type3A = arith.fptosi %min3A_77 : vector<16xf32> to vector<16xi32>
      %min3A_78 = arith.constant 126 : i32
      %min3A_79 = vector.broadcast %min3A_78 : i32 to vector<16xi32>
      %min3A_80 = arith.minsi %convert_element_type3A, %min3A_79 : vector<16xi32>
      %convert_element_type3A_81 = arith.sitofp %min3A_80 : vector<16xi32> to vector<16xf32>
      %sub3A = arith.subf %min3A_77, %convert_element_type3A_81 : vector<16xf32>
      %get3A_82 = arith.index_cast %mul3A_72 : i32 to index
      %get3A_83 = tpu.vector_load %arg9[%get3A_82] {strides = array<i32>} : memref<2048xf32, #tpu.memory_space<vmem>>, vector<16xf32>,
      %max3A_84 = arith.constant 0.000000e+00 : f32
      %max3A_85 = vector.broadcast %max3A_84 : f32 to vector<16xf32>
      %max3A_86 = arith.maximumf %get3A_83, %max3A_85 : vector<16xf32>
      %min3A_87 = arith.constant 1.270000e+02 : f32
      %min3A_88 = vector.broadcast %min3A_87 : f32 to vector<16xf32>
      %min3A_89 = arith.minimumf %max3A_86, %min3A_88 : vector<16xf32>
      %convert_element_type3A_90 = arith.fptosi %min3A_89 : vector<16xf32> to vector<16xi32>
      %min3A_91 = arith.constant 126 : i32
      %min3A_92 = vector.broadcast %min3A_91 : i32 to vector<16xi32>
      %min3A_93 = arith.minsi %convert_element_type3A_90, %min3A_92 : vector<16xi32>
      %convert_element_type3A_94 = arith.sitofp %min3A_93 : vector<16xi32> to vector<16xf32>
      %sub3A_95 = arith.subf %min3A_89, %convert_element_type3A_94 : vector<16xf32>
      %get3A_96 = arith.index_cast %mul3A_72 : i32 to index
      %get3A_97 = tpu.vector_load %arg10[%get3A_96] {strides = array<i32>} : memref<2048xf32, #tpu.memory_space<vmem>>, vector<16xf32>,
      %max3A_98 = arith.constant 0.000000e+00 : f32
      %max3A_99 = vector.broadcast %max3A_98 : f32 to vector<16xf32>
      %max3A_100 = arith.maximumf %get3A_97, %max3A_99 : vector<16xf32>
      %min3A_101 = arith.constant 1.270000e+02 : f32
      %min3A_102 = vector.broadcast %min3A_101 : f32 to vector<16xf32>
      %min3A_103 = arith.minimumf %max3A_100, %min3A_102 : vector<16xf32>
      %convert_element_type3A_104 = arith.fptosi %min3A_103 : vector<16xf32> to vector<16xi32>
      %min3A_105 = arith.constant 126 : i32
      %min3A_106 = vector.broadcast %min3A_105 : i32 to vector<16xi32>
      %min3A_107 = arith.minsi %convert_element_type3A_104, %min3A_106 : vector<16xi32>
      %convert_element_type3A_108 = arith.sitofp %min3A_107 : vector<16xi32> to vector<16xf32>
      %sub3A_109 = arith.subf %min3A_103, %convert_element_type3A_108 : vector<16xf32>
      %mul3A_110 = arith.constant 16384 : i32
      %mul3A_111 = vector.broadcast %mul3A_110 : i32 to vector<16xi32>
      %mul3A_112 = arith.muli %min3A_107, %mul3A_111 : vector<16xi32>
      %mul3A_113 = arith.constant 128 : i32
      %mul3A_114 = vector.broadcast %mul3A_113 : i32 to vector<16xi32>
      %mul3A_115 = arith.muli %min3A_93, %mul3A_114 : vector<16xi32>
      %add3A_116 = arith.addi %mul3A_112, %mul3A_115 : vector<16xi32>
      %add3A_117 = arith.addi %add3A_116, %min3A_80 : vector<16xi32>
      %sub3A_118 = arith.constant 1.000000e+00 : f32
      %sub3A_119 = vector.broadcast %sub3A_118 : f32 to vector<16xf32>
      %sub3A_120 = arith.subf %sub3A_119, %sub3A : vector<16xf32>
      %sub3A_121 = arith.constant 1.000000e+00 : f32
      %sub3A_122 = vector.broadcast %sub3A_121 : f32 to vector<16xf32>
      %sub3A_123 = arith.subf %sub3A_122, %sub3A_95 : vector<16xf32>
      %sub3A_124 = arith.constant 1.000000e+00 : f32
      %sub3A_125 = vector.broadcast %sub3A_124 : f32 to vector<16xf32>
      %sub3A_126 = arith.subf %sub3A_125, %sub3A_109 : vector<16xf32>
      %mul3A_127 = arith.mulf %sub3A_126, %sub3A_123 : vector<16xf32>
      %mul3A_128 = arith.mulf %sub3A_126, %sub3A_95 : vector<16xf32>
      %mul3A_129 = arith.mulf %sub3A_109, %sub3A_123 : vector<16xf32>
      %mul3A_130 = arith.mulf %sub3A_109, %sub3A_95 : vector<16xf32>
      %mul3A_131 = arith.mulf %mul3A_127, %sub3A_120 : vector<16xf32>
      %mul3A_132 = arith.mulf %mul3A_127, %sub3A : vector<16xf32>
      %mul3A_133 = arith.mulf %mul3A_128, %sub3A_120 : vector<16xf32>
      %mul3A_134 = arith.mulf %mul3A_128, %sub3A : vector<16xf32>
      %mul3A_135 = arith.mulf %mul3A_129, %sub3A_120 : vector<16xf32>
      %mul3A_136 = arith.mulf %mul3A_129, %sub3A : vector<16xf32>
      %mul3A_137 = arith.mulf %mul3A_130, %sub3A_120 : vector<16xf32>
      %mul3A_138 = arith.mulf %mul3A_130, %sub3A : vector<16xf32>
      %shift_right_arithmetic3A = arith.constant 3 : i32
      %shift_right_arithmetic3A_139 = arith.shrsi %scan3A_70, %shift_right_arithmetic3A : i32
      %mul3A_140 = arith.constant 1024 : i32
      %mul3A_141 = arith.muli %shift_right_arithmetic3A_139, %mul3A_140 : i32
      %and3A = arith.constant 7 : i32
      %and3A_142 = arith.andi %scan3A_70, %and3A : i32
      %mul3A_143 = arith.constant 16 : i32
      %mul3A_144 = arith.muli %and3A_142, %mul3A_143 : i32
      %add3A_145 = arith.addi %mul3A_141, %mul3A_144 : i32
      %add3A_146 = arith.constant 0 : i32
      %add3A_147 = vector.broadcast %add3A_146 : i32 to vector<16xi32>
      %add3A_148 = arith.addi %add3A_117, %add3A_147 : vector<16xi32>
      %add3A_149 = arith.constant 0 : i32
      %add3A_150 = arith.addi %add3A_145, %add3A_149 : i32
      %swap3A = arith.index_cast %add3A_150 : i32 to index
      %swap3A_151 = tpu.vector_load %arg14[%swap3A] {strides = array<i32>} : memref<16384xi32, #tpu.memory_space<vmem>>, vector<16xi32>,
      tpu.vector_store %arg14[%swap3A], %add3A_148 {strides = array<i32>} : memref<16384xi32, #tpu.memory_space<vmem>>, vector<16xi32>,
      %add3A_152 = arith.constant 0 : i32
      %add3A_153 = arith.addi %add3A_145, %add3A_152 : i32
      %swap3A_154 = arith.index_cast %add3A_153 : i32 to index
      %swap3A_155 = tpu.vector_load %arg16[%swap3A_154] {strides = array<i32>} : memref<16384xf32, #tpu.memory_space<vmem>>, vector<16xf32>,
      tpu.vector_store %arg16[%swap3A_154], %mul3A_131 {strides = array<i32>} : memref<16384xf32, #tpu.memory_space<vmem>>, vector<16xf32>,
      %add3A_156 = arith.constant 1 : i32
      %add3A_157 = vector.broadcast %add3A_156 : i32 to vector<16xi32>
      %add3A_158 = arith.addi %add3A_117, %add3A_157 : vector<16xi32>
      %add3A_159 = arith.constant 128 : i32
      %add3A_160 = arith.addi %add3A_145, %add3A_159 : i32
      %swap3A_161 = arith.index_cast %add3A_160 : i32 to index
      %swap3A_162 = tpu.vector_load %arg14[%swap3A_161] {strides = array<i32>} : memref<16384xi32, #tpu.memory_space<vmem>>, vector<16xi32>,
      tpu.vector_store %arg14[%swap3A_161], %add3A_158 {strides = array<i32>} : memref<16384xi32, #tpu.memory_space<vmem>>, vector<16xi32>,
      %add3A_163 = arith.constant 128 : i32
      %add3A_164 = arith.addi %add3A_145, %add3A_163 : i32
      %swap3A_165 = arith.index_cast %add3A_164 : i32 to index
      %swap3A_166 = tpu.vector_load %arg16[%swap3A_165] {strides = array<i32>} : memref<16384xf32, #tpu.memory_space<vmem>>, vector<16xf32>,
      tpu.vector_store %arg16[%swap3A_165], %mul3A_132 {strides = array<i32>} : memref<16384xf32, #tpu.memory_space<vmem>>, vector<16xf32>,
      %add3A_167 = arith.constant 128 : i32
      %add3A_168 = vector.broadcast %add3A_167 : i32 to vector<16xi32>
      %add3A_169 = arith.addi %add3A_117, %add3A_168 : vector<16xi32>
      %add3A_170 = arith.constant 256 : i32
      %add3A_171 = arith.addi %add3A_145, %add3A_170 : i32
      %swap3A_172 = arith.index_cast %add3A_171 : i32 to index
      %swap3A_173 = tpu.vector_load %arg14[%swap3A_172] {strides = array<i32>} : memref<16384xi32, #tpu.memory_space<vmem>>, vector<16xi32>,
      tpu.vector_store %arg14[%swap3A_172], %add3A_169 {strides = array<i32>} : memref<16384xi32, #tpu.memory_space<vmem>>, vector<16xi32>,
      %add3A_174 = arith.constant 256 : i32
      %add3A_175 = arith.addi %add3A_145, %add3A_174 : i32
      %swap3A_176 = arith.index_cast %add3A_175 : i32 to index
      %swap3A_177 = tpu.vector_load %arg16[%swap3A_176] {strides = array<i32>} : memref<16384xf32, #tpu.memory_space<vmem>>, vector<16xf32>,
      tpu.vector_store %arg16[%swap3A_176], %mul3A_133 {strides = array<i32>} : memref<16384xf32, #tpu.memory_space<vmem>>, vector<16xf32>,
      %add3A_178 = arith.constant 129 : i32
      %add3A_179 = vector.broadcast %add3A_178 : i32 to vector<16xi32>
      %add3A_180 = arith.addi %add3A_117, %add3A_179 : vector<16xi32>
      %add3A_181 = arith.constant 384 : i32
      %add3A_182 = arith.addi %add3A_145, %add3A_181 : i32
      %swap3A_183 = arith.index_cast %add3A_182 : i32 to index
      %swap3A_184 = tpu.vector_load %arg14[%swap3A_183] {strides = array<i32>} : memref<16384xi32, #tpu.memory_space<vmem>>, vector<16xi32>,
      tpu.vector_store %arg14[%swap3A_183], %add3A_180 {strides = array<i32>} : memref<16384xi32, #tpu.memory_space<vmem>>, vector<16xi32>,
      %add3A_185 = arith.constant 384 : i32
      %add3A_186 = arith.addi %add3A_145, %add3A_185 : i32
      %swap3A_187 = arith.index_cast %add3A_186 : i32 to index
      %swap3A_188 = tpu.vector_load %arg16[%swap3A_187] {strides = array<i32>} : memref<16384xf32, #tpu.memory_space<vmem>>, vector<16xf32>,
      tpu.vector_store %arg16[%swap3A_187], %mul3A_134 {strides = array<i32>} : memref<16384xf32, #tpu.memory_space<vmem>>, vector<16xf32>,
      %add3A_189 = arith.constant 16384 : i32
      %add3A_190 = vector.broadcast %add3A_189 : i32 to vector<16xi32>
      %add3A_191 = arith.addi %add3A_117, %add3A_190 : vector<16xi32>
      %add3A_192 = arith.constant 512 : i32
      %add3A_193 = arith.addi %add3A_145, %add3A_192 : i32
      %swap3A_194 = arith.index_cast %add3A_193 : i32 to index
      %swap3A_195 = tpu.vector_load %arg14[%swap3A_194] {strides = array<i32>} : memref<16384xi32, #tpu.memory_space<vmem>>, vector<16xi32>,
      tpu.vector_store %arg14[%swap3A_194], %add3A_191 {strides = array<i32>} : memref<16384xi32, #tpu.memory_space<vmem>>, vector<16xi32>,
      %add3A_196 = arith.constant 512 : i32
      %add3A_197 = arith.addi %add3A_145, %add3A_196 : i32
      %swap3A_198 = arith.index_cast %add3A_197 : i32 to index
      %swap3A_199 = tpu.vector_load %arg16[%swap3A_198] {strides = array<i32>} : memref<16384xf32, #tpu.memory_space<vmem>>, vector<16xf32>,
      tpu.vector_store %arg16[%swap3A_198], %mul3A_135 {strides = array<i32>} : memref<16384xf32, #tpu.memory_space<vmem>>, vector<16xf32>,
      %add3A_200 = arith.constant 16385 : i32
      %add3A_201 = vector.broadcast %add3A_200 : i32 to vector<16xi32>
      %add3A_202 = arith.addi %add3A_117, %add3A_201 : vector<16xi32>
      %add3A_203 = arith.constant 640 : i32
      %add3A_204 = arith.addi %add3A_145, %add3A_203 : i32
      %swap3A_205 = arith.index_cast %add3A_204 : i32 to index
      %swap3A_206 = tpu.vector_load %arg14[%swap3A_205] {strides = array<i32>} : memref<16384xi32, #tpu.memory_space<vmem>>, vector<16xi32>,
      tpu.vector_store %arg14[%swap3A_205], %add3A_202 {strides = array<i32>} : memref<16384xi32, #tpu.memory_space<vmem>>, vector<16xi32>,
      %add3A_207 = arith.constant 640 : i32
      %add3A_208 = arith.addi %add3A_145, %add3A_207 : i32
      %swap3A_209 = arith.index_cast %add3A_208 : i32 to index
      %swap3A_210 = tpu.vector_load %arg16[%swap3A_209] {strides = array<i32>} : memref<16384xf32, #tpu.memory_space<vmem>>, vector<16xf32>,
      tpu.vector_store %arg16[%swap3A_209], %mul3A_136 {strides = array<i32>} : memref<16384xf32, #tpu.memory_space<vmem>>, vector<16xf32>,
      %add3A_211 = arith.constant 16512 : i32
      %add3A_212 = vector.broadcast %add3A_211 : i32 to vector<16xi32>
      %add3A_213 = arith.addi %add3A_117, %add3A_212 : vector<16xi32>
      %add3A_214 = arith.constant 768 : i32
      %add3A_215 = arith.addi %add3A_145, %add3A_214 : i32
      %swap3A_216 = arith.index_cast %add3A_215 : i32 to index
      %swap3A_217 = tpu.vector_load %arg14[%swap3A_216] {strides = array<i32>} : memref<16384xi32, #tpu.memory_space<vmem>>, vector<16xi32>,
      tpu.vector_store %arg14[%swap3A_216], %add3A_213 {strides = array<i32>} : memref<16384xi32, #tpu.memory_space<vmem>>, vector<16xi32>,
      %add3A_218 = arith.constant 768 : i32
      %add3A_219 = arith.addi %add3A_145, %add3A_218 : i32
      %swap3A_220 = arith.index_cast %add3A_219 : i32 to index
      %swap3A_221 = tpu.vector_load %arg16[%swap3A_220] {strides = array<i32>} : memref<16384xf32, #tpu.memory_space<vmem>>, vector<16xf32>,
      tpu.vector_store %arg16[%swap3A_220], %mul3A_137 {strides = array<i32>} : memref<16384xf32, #tpu.memory_space<vmem>>, vector<16xf32>,
      %add3A_222 = arith.constant 16513 : i32
      %add3A_223 = vector.broadcast %add3A_222 : i32 to vector<16xi32>
      %add3A_224 = arith.addi %add3A_117, %add3A_223 : vector<16xi32>
      %add3A_225 = arith.constant 896 : i32
      %add3A_226 = arith.addi %add3A_145, %add3A_225 : i32
      %swap3A_227 = arith.index_cast %add3A_226 : i32 to index
      %swap3A_228 = tpu.vector_load %arg14[%swap3A_227] {strides = array<i32>} : memref<16384xi32, #tpu.memory_space<vmem>>, vector<16xi32>,
      tpu.vector_store %arg14[%swap3A_227], %add3A_224 {strides = array<i32>} : memref<16384xi32, #tpu.memory_space<vmem>>, vector<16xi32>,
      %add3A_229 = arith.constant 896 : i32
      %add3A_230 = arith.addi %add3A_145, %add3A_229 : i32
      %swap3A_231 = arith.index_cast %add3A_230 : i32 to index
      %swap3A_232 = tpu.vector_load %arg16[%swap3A_231] {strides = array<i32>} : memref<16384xf32, #tpu.memory_space<vmem>>, vector<16xf32>,
      tpu.vector_store %arg16[%swap3A_231], %mul3A_138 {strides = array<i32>} : memref<16384xf32, #tpu.memory_space<vmem>>, vector<16xf32>,
    }
    %scan3A_22 = arith.constant 128 : i32
    %dma_start3A_23 = arith.constant 0 : i32
    %dma_start3A_24 = tpu.memref_slice %arg5[%dma_start3A_23] : memref<2097152xi32, #tpu.memory_space<hbm>> -> memref<2097152xi32, #tpu.memory_space<hbm>>
    tpu.enqueue_indirect_dma source(%dma_start3A_24 : memref<2097152xi32, #tpu.memory_space<hbm>>) target(%arg15 : memref<16384xi32, #tpu.memory_space<vmem>>) offsets(%arg14 : memref<16384xi32, #tpu.memory_space<vmem>>) semaphore(%arg18 : memref<!tpu.dma_semaphore, #tpu.memory_space<semaphore_mem>>)
    %dma_wait3A = arith.constant 0 : i32
    %dma_wait3A_25 = tpu.memref_slice %arg5[%dma_wait3A] : memref<2097152xi32, #tpu.memory_space<hbm>> -> memref<2097152xi32, #tpu.memory_space<hbm>>
    tpu.wait_indirect_dma semaphore(%arg17 : memref<!tpu.dma_semaphore, #tpu.memory_space<semaphore_mem>>) src(%dma_wait3A_25 : memref<2097152xi32, #tpu.memory_space<hbm>>) dst(%arg12 : memref<16384xi32, #tpu.memory_space<vmem>>)
    %mul3A_26 = arith.constant 8 : i32
    %mul3A_27 = arith.muli %add3A_4, %mul3A_26 : i32
    "tpu.region"() ({
      %run_scoped3A = tpu.sem_alloc : memref<!tpu.dma_semaphore, #tpu.memory_space<semaphore_mem>>
      %dma_start3A_70 = tpu.memref_slice %arg6[%mul3A_27] : memref<2097152xi32, #tpu.memory_space<hbm>> -> memref<16384xi32, #tpu.memory_space<hbm>>
      %dma_start3A_71 = tpu.memref_slice %arg6[%mul3A_27] : memref<2097152xi32, #tpu.memory_space<hbm>> -> memref<16384xi32, #tpu.memory_space<hbm>>
      tpu.enqueue_dma source(%arg12 : memref<16384xi32, #tpu.memory_space<vmem>>) target(%dma_start3A_71 : memref<16384xi32, #tpu.memory_space<hbm>>) target_semaphore(%run_scoped3A : memref<!tpu.dma_semaphore, #tpu.memory_space<semaphore_mem>>)
      %dma_wait3A_72 = tpu.memref_slice %arg6[%mul3A_27] : memref<2097152xi32, #tpu.memory_space<hbm>> -> memref<16384xi32, #tpu.memory_space<hbm>>
      %dma_wait3A_73 = tpu.memref_slice %arg6[%mul3A_27] : memref<2097152xi32, #tpu.memory_space<hbm>> -> memref<16384xi32, #tpu.memory_space<hbm>>
      tpu.wait_dma2 semaphore(%run_scoped3A : memref<!tpu.dma_semaphore, #tpu.memory_space<semaphore_mem>>) src(%arg12 : memref<16384xi32, #tpu.memory_space<vmem>>) dst(%dma_wait3A_73 : memref<16384xi32, #tpu.memory_space<hbm>>)
      tpu.yield
    }) : () -> ()
    %mul3A_28 = arith.constant 8 : i32
    %mul3A_29 = arith.muli %add3A_16, %mul3A_28 : i32
    "tpu.region"() ({
      %run_scoped3A = tpu.sem_alloc : memref<!tpu.dma_semaphore, #tpu.memory_space<semaphore_mem>>
      %dma_start3A_70 = tpu.memref_slice %arg7[%mul3A_29] : memref<2097152xf32, #tpu.memory_space<hbm>> -> memref<16384xf32, #tpu.memory_space<hbm>>
      %dma_start3A_71 = tpu.memref_slice %arg7[%mul3A_29] : memref<2097152xf32, #tpu.memory_space<hbm>> -> memref<16384xf32, #tpu.memory_space<hbm>>
      tpu.enqueue_dma source(%arg16 : memref<16384xf32, #tpu.memory_space<vmem>>) target(%dma_start3A_71 : memref<16384xf32, #tpu.memory_space<hbm>>) target_semaphore(%run_scoped3A : memref<!tpu.dma_semaphore, #tpu.memory_space<semaphore_mem>>)
      %dma_wait3A_72 = tpu.memref_slice %arg7[%mul3A_29] : memref<2097152xf32, #tpu.memory_space<hbm>> -> memref<16384xf32, #tpu.memory_space<hbm>>
      %dma_wait3A_73 = tpu.memref_slice %arg7[%mul3A_29] : memref<2097152xf32, #tpu.memory_space<hbm>> -> memref<16384xf32, #tpu.memory_space<hbm>>
      tpu.wait_dma2 semaphore(%run_scoped3A : memref<!tpu.dma_semaphore, #tpu.memory_space<semaphore_mem>>) src(%arg16 : memref<16384xf32, #tpu.memory_space<vmem>>) dst(%dma_wait3A_73 : memref<16384xf32, #tpu.memory_space<hbm>>)
      tpu.yield
    }) : () -> ()
    %mul3A_30 = arith.constant 8192 : i32
    %mul3A_31 = arith.muli %add3A, %mul3A_30 : i32
    %add3A_32 = arith.constant 4096 : i32
    %add3A_33 = arith.addi %mul3A_31, %add3A_32 : i32
    "tpu.region"() ({
      %run_scoped3A = tpu.sem_alloc : memref<!tpu.dma_semaphore, #tpu.memory_space<semaphore_mem>>
      %dma_start3A_70 = tpu.memref_slice %arg2[%add3A_33] : memref<262144xf32, #tpu.memory_space<hbm>> -> memref<2048xf32, #tpu.memory_space<hbm>>
      %dma_start3A_71 = tpu.memref_slice %arg2[%add3A_33] : memref<262144xf32, #tpu.memory_space<hbm>> -> memref<2048xf32, #tpu.memory_space<hbm>>
      tpu.enqueue_dma source(%dma_start3A_71 : memref<2048xf32, #tpu.memory_space<hbm>>) target(%arg8 : memref<2048xf32, #tpu.memory_space<vmem>>) target_semaphore(%run_scoped3A : memref<!tpu.dma_semaphore, #tpu.memory_space<semaphore_mem>>)
      %dma_wait3A_72 = tpu.memref_slice %arg2[%add3A_33] : memref<262144xf32, #tpu.memory_space<hbm>> -> memref<2048xf32, #tpu.memory_space<hbm>>
      %dma_wait3A_73 = tpu.memref_slice %arg2[%add3A_33] : memref<262144xf32, #tpu.memory_space<hbm>> -> memref<2048xf32, #tpu.memory_space<hbm>>
      tpu.wait_dma2 semaphore(%run_scoped3A : memref<!tpu.dma_semaphore, #tpu.memory_space<semaphore_mem>>) src(%dma_wait3A_73 : memref<2048xf32, #tpu.memory_space<hbm>>) dst(%arg8 : memref<2048xf32, #tpu.memory_space<vmem>>)
      tpu.yield
    }) : () -> ()
    "tpu.region"() ({
      %run_scoped3A = tpu.sem_alloc : memref<!tpu.dma_semaphore, #tpu.memory_space<semaphore_mem>>
      %dma_start3A_70 = tpu.memref_slice %arg3[%add3A_33] : memref<262144xf32, #tpu.memory_space<hbm>> -> memref<2048xf32, #tpu.memory_space<hbm>>
      %dma_start3A_71 = tpu.memref_slice %arg3[%add3A_33] : memref<262144xf32, #tpu.memory_space<hbm>> -> memref<2048xf32, #tpu.memory_space<hbm>>
      tpu.enqueue_dma source(%dma_start3A_71 : memref<2048xf32, #tpu.memory_space<hbm>>) target(%arg9 : memref<2048xf32, #tpu.memory_space<vmem>>) target_semaphore(%run_scoped3A : memref<!tpu.dma_semaphore, #tpu.memory_space<semaphore_mem>>)
      %dma_wait3A_72 = tpu.memref_slice %arg3[%add3A_33] : memref<262144xf32, #tpu.memory_space<hbm>> -> memref<2048xf32, #tpu.memory_space<hbm>>
      %dma_wait3A_73 = tpu.memref_slice %arg3[%add3A_33] : memref<262144xf32, #tpu.memory_space<hbm>> -> memref<2048xf32, #tpu.memory_space<hbm>>
      tpu.wait_dma2 semaphore(%run_scoped3A : memref<!tpu.dma_semaphore, #tpu.memory_space<semaphore_mem>>) src(%dma_wait3A_73 : memref<2048xf32, #tpu.memory_space<hbm>>) dst(%arg9 : memref<2048xf32, #tpu.memory_space<vmem>>)
      tpu.yield
    }) : () -> ()
    "tpu.region"() ({
      %run_scoped3A = tpu.sem_alloc : memref<!tpu.dma_semaphore, #tpu.memory_space<semaphore_mem>>
      %dma_start3A_70 = tpu.memref_slice %arg4[%add3A_33] : memref<262144xf32, #tpu.memory_space<hbm>> -> memref<2048xf32, #tpu.memory_space<hbm>>
      %dma_start3A_71 = tpu.memref_slice %arg4[%add3A_33] : memref<262144xf32, #tpu.memory_space<hbm>> -> memref<2048xf32, #tpu.memory_space<hbm>>
      tpu.enqueue_dma source(%dma_start3A_71 : memref<2048xf32, #tpu.memory_space<hbm>>) target(%arg10 : memref<2048xf32, #tpu.memory_space<vmem>>) target_semaphore(%run_scoped3A : memref<!tpu.dma_semaphore, #tpu.memory_space<semaphore_mem>>)
      %dma_wait3A_72 = tpu.memref_slice %arg4[%add3A_33] : memref<262144xf32, #tpu.memory_space<hbm>> -> memref<2048xf32, #tpu.memory_space<hbm>>
      %dma_wait3A_73 = tpu.memref_slice %arg4[%add3A_33] : memref<262144xf32, #tpu.memory_space<hbm>> -> memref<2048xf32, #tpu.memory_space<hbm>>
      tpu.wait_dma2 semaphore(%run_scoped3A : memref<!tpu.dma_semaphore, #tpu.memory_space<semaphore_mem>>) src(%dma_wait3A_73 : memref<2048xf32, #tpu.memory_space<hbm>>) dst(%arg10 : memref<2048xf32, #tpu.memory_space<vmem>>)
      tpu.yield
    }) : () -> ()
    %scan3A_34 = arith.constant 0 : i32
    %scan3A_35 = arith.constant 0 : i32
    %scan3A_36 = arith.constant 128 : i32
    %scan3A_37 = arith.addi %scan3A_35, %scan3A_36 : i32
    %scan3A_38 = arith.constant 1 : i32
    scf.for %scan3A_70 = %scan3A_35 to %scan3A_37 step %scan3A_38  : i32 {
      %mul3A_71 = arith.constant 16 : i32
      %mul3A_72 = arith.muli %scan3A_70, %mul3A_71 : i32
      %get3A = arith.index_cast %mul3A_72 : i32 to index
      %get3A_73 = tpu.vector_load %arg8[%get3A] {strides = array<i32>} : memref<2048xf32, #tpu.memory_space<vmem>>, vector<16xf32>,
      %max3A = arith.constant 0.000000e+00 : f32
      %max3A_74 = vector.broadcast %max3A : f32 to vector<16xf32>
      %max3A_75 = arith.maximumf %get3A_73, %max3A_74 : vector<16xf32>
      %min3A = arith.constant 1.270000e+02 : f32
      %min3A_76 = vector.broadcast %min3A : f32 to vector<16xf32>
      %min3A_77 = arith.minimumf %max3A_75, %min3A_76 : vector<16xf32>
      %convert_element_type3A = arith.fptosi %min3A_77 : vector<16xf32> to vector<16xi32>
      %min3A_78 = arith.constant 126 : i32
      %min3A_79 = vector.broadcast %min3A_78 : i32 to vector<16xi32>
      %min3A_80 = arith.minsi %convert_element_type3A, %min3A_79 : vector<16xi32>
      %convert_element_type3A_81 = arith.sitofp %min3A_80 : vector<16xi32> to vector<16xf32>
      %sub3A = arith.subf %min3A_77, %convert_element_type3A_81 : vector<16xf32>
      %get3A_82 = arith.index_cast %mul3A_72 : i32 to index
      %get3A_83 = tpu.vector_load %arg9[%get3A_82] {strides = array<i32>} : memref<2048xf32, #tpu.memory_space<vmem>>, vector<16xf32>,
      %max3A_84 = arith.constant 0.000000e+00 : f32
      %max3A_85 = vector.broadcast %max3A_84 : f32 to vector<16xf32>
      %max3A_86 = arith.maximumf %get3A_83, %max3A_85 : vector<16xf32>
      %min3A_87 = arith.constant 1.270000e+02 : f32
      %min3A_88 = vector.broadcast %min3A_87 : f32 to vector<16xf32>
      %min3A_89 = arith.minimumf %max3A_86, %min3A_88 : vector<16xf32>
      %convert_element_type3A_90 = arith.fptosi %min3A_89 : vector<16xf32> to vector<16xi32>
      %min3A_91 = arith.constant 126 : i32
      %min3A_92 = vector.broadcast %min3A_91 : i32 to vector<16xi32>
      %min3A_93 = arith.minsi %convert_element_type3A_90, %min3A_92 : vector<16xi32>
      %convert_element_type3A_94 = arith.sitofp %min3A_93 : vector<16xi32> to vector<16xf32>
      %sub3A_95 = arith.subf %min3A_89, %convert_element_type3A_94 : vector<16xf32>
      %get3A_96 = arith.index_cast %mul3A_72 : i32 to index
      %get3A_97 = tpu.vector_load %arg10[%get3A_96] {strides = array<i32>} : memref<2048xf32, #tpu.memory_space<vmem>>, vector<16xf32>,
      %max3A_98 = arith.constant 0.000000e+00 : f32
      %max3A_99 = vector.broadcast %max3A_98 : f32 to vector<16xf32>
      %max3A_100 = arith.maximumf %get3A_97, %max3A_99 : vector<16xf32>
      %min3A_101 = arith.constant 1.270000e+02 : f32
      %min3A_102 = vector.broadcast %min3A_101 : f32 to vector<16xf32>
      %min3A_103 = arith.minimumf %max3A_100, %min3A_102 : vector<16xf32>
      %convert_element_type3A_104 = arith.fptosi %min3A_103 : vector<16xf32> to vector<16xi32>
      %min3A_105 = arith.constant 126 : i32
      %min3A_106 = vector.broadcast %min3A_105 : i32 to vector<16xi32>
      %min3A_107 = arith.minsi %convert_element_type3A_104, %min3A_106 : vector<16xi32>
      %convert_element_type3A_108 = arith.sitofp %min3A_107 : vector<16xi32> to vector<16xf32>
      %sub3A_109 = arith.subf %min3A_103, %convert_element_type3A_108 : vector<16xf32>
      %mul3A_110 = arith.constant 16384 : i32
      %mul3A_111 = vector.broadcast %mul3A_110 : i32 to vector<16xi32>
      %mul3A_112 = arith.muli %min3A_107, %mul3A_111 : vector<16xi32>
      %mul3A_113 = arith.constant 128 : i32
      %mul3A_114 = vector.broadcast %mul3A_113 : i32 to vector<16xi32>
      %mul3A_115 = arith.muli %min3A_93, %mul3A_114 : vector<16xi32>
      %add3A_116 = arith.addi %mul3A_112, %mul3A_115 : vector<16xi32>
      %add3A_117 = arith.addi %add3A_116, %min3A_80 : vector<16xi32>
      %sub3A_118 = arith.constant 1.000000e+00 : f32
      %sub3A_119 = vector.broadcast %sub3A_118 : f32 to vector<16xf32>
      %sub3A_120 = arith.subf %sub3A_119, %sub3A : vector<16xf32>
      %sub3A_121 = arith.constant 1.000000e+00 : f32
      %sub3A_122 = vector.broadcast %sub3A_121 : f32 to vector<16xf32>
      %sub3A_123 = arith.subf %sub3A_122, %sub3A_95 : vector<16xf32>
      %sub3A_124 = arith.constant 1.000000e+00 : f32
      %sub3A_125 = vector.broadcast %sub3A_124 : f32 to vector<16xf32>
      %sub3A_126 = arith.subf %sub3A_125, %sub3A_109 : vector<16xf32>
      %mul3A_127 = arith.mulf %sub3A_126, %sub3A_123 : vector<16xf32>
      %mul3A_128 = arith.mulf %sub3A_126, %sub3A_95 : vector<16xf32>
      %mul3A_129 = arith.mulf %sub3A_109, %sub3A_123 : vector<16xf32>
      %mul3A_130 = arith.mulf %sub3A_109, %sub3A_95 : vector<16xf32>
      %mul3A_131 = arith.mulf %mul3A_127, %sub3A_120 : vector<16xf32>
      %mul3A_132 = arith.mulf %mul3A_127, %sub3A : vector<16xf32>
      %mul3A_133 = arith.mulf %mul3A_128, %sub3A_120 : vector<16xf32>
      %mul3A_134 = arith.mulf %mul3A_128, %sub3A : vector<16xf32>
      %mul3A_135 = arith.mulf %mul3A_129, %sub3A_120 : vector<16xf32>
      %mul3A_136 = arith.mulf %mul3A_129, %sub3A : vector<16xf32>
      %mul3A_137 = arith.mulf %mul3A_130, %sub3A_120 : vector<16xf32>
      %mul3A_138 = arith.mulf %mul3A_130, %sub3A : vector<16xf32>
      %shift_right_arithmetic3A = arith.constant 3 : i32
      %shift_right_arithmetic3A_139 = arith.shrsi %scan3A_70, %shift_right_arithmetic3A : i32
      %mul3A_140 = arith.constant 1024 : i32
      %mul3A_141 = arith.muli %shift_right_arithmetic3A_139, %mul3A_140 : i32
      %and3A = arith.constant 7 : i32
      %and3A_142 = arith.andi %scan3A_70, %and3A : i32
      %mul3A_143 = arith.constant 16 : i32
      %mul3A_144 = arith.muli %and3A_142, %mul3A_143 : i32
      %add3A_145 = arith.addi %mul3A_141, %mul3A_144 : i32
      %add3A_146 = arith.constant 0 : i32
      %add3A_147 = vector.broadcast %add3A_146 : i32 to vector<16xi32>
      %add3A_148 = arith.addi %add3A_117, %add3A_147 : vector<16xi32>
      %add3A_149 = arith.constant 0 : i32
      %add3A_150 = arith.addi %add3A_145, %add3A_149 : i32
      %swap3A = arith.index_cast %add3A_150 : i32 to index
      %swap3A_151 = tpu.vector_load %arg11[%swap3A] {strides = array<i32>} : memref<16384xi32, #tpu.memory_space<vmem>>, vector<16xi32>,
      tpu.vector_store %arg11[%swap3A], %add3A_148 {strides = array<i32>} : memref<16384xi32, #tpu.memory_space<vmem>>, vector<16xi32>,
      %add3A_152 = arith.constant 0 : i32
      %add3A_153 = arith.addi %add3A_145, %add3A_152 : i32
      %swap3A_154 = arith.index_cast %add3A_153 : i32 to index
      %swap3A_155 = tpu.vector_load %arg13[%swap3A_154] {strides = array<i32>} : memref<16384xf32, #tpu.memory_space<vmem>>, vector<16xf32>,
      tpu.vector_store %arg13[%swap3A_154], %mul3A_131 {strides = array<i32>} : memref<16384xf32, #tpu.memory_space<vmem>>, vector<16xf32>,
      %add3A_156 = arith.constant 1 : i32
      %add3A_157 = vector.broadcast %add3A_156 : i32 to vector<16xi32>
      %add3A_158 = arith.addi %add3A_117, %add3A_157 : vector<16xi32>
      %add3A_159 = arith.constant 128 : i32
      %add3A_160 = arith.addi %add3A_145, %add3A_159 : i32
      %swap3A_161 = arith.index_cast %add3A_160 : i32 to index
      %swap3A_162 = tpu.vector_load %arg11[%swap3A_161] {strides = array<i32>} : memref<16384xi32, #tpu.memory_space<vmem>>, vector<16xi32>,
      tpu.vector_store %arg11[%swap3A_161], %add3A_158 {strides = array<i32>} : memref<16384xi32, #tpu.memory_space<vmem>>, vector<16xi32>,
      %add3A_163 = arith.constant 128 : i32
      %add3A_164 = arith.addi %add3A_145, %add3A_163 : i32
      %swap3A_165 = arith.index_cast %add3A_164 : i32 to index
      %swap3A_166 = tpu.vector_load %arg13[%swap3A_165] {strides = array<i32>} : memref<16384xf32, #tpu.memory_space<vmem>>, vector<16xf32>,
      tpu.vector_store %arg13[%swap3A_165], %mul3A_132 {strides = array<i32>} : memref<16384xf32, #tpu.memory_space<vmem>>, vector<16xf32>,
      %add3A_167 = arith.constant 128 : i32
      %add3A_168 = vector.broadcast %add3A_167 : i32 to vector<16xi32>
      %add3A_169 = arith.addi %add3A_117, %add3A_168 : vector<16xi32>
      %add3A_170 = arith.constant 256 : i32
      %add3A_171 = arith.addi %add3A_145, %add3A_170 : i32
      %swap3A_172 = arith.index_cast %add3A_171 : i32 to index
      %swap3A_173 = tpu.vector_load %arg11[%swap3A_172] {strides = array<i32>} : memref<16384xi32, #tpu.memory_space<vmem>>, vector<16xi32>,
      tpu.vector_store %arg11[%swap3A_172], %add3A_169 {strides = array<i32>} : memref<16384xi32, #tpu.memory_space<vmem>>, vector<16xi32>,
      %add3A_174 = arith.constant 256 : i32
      %add3A_175 = arith.addi %add3A_145, %add3A_174 : i32
      %swap3A_176 = arith.index_cast %add3A_175 : i32 to index
      %swap3A_177 = tpu.vector_load %arg13[%swap3A_176] {strides = array<i32>} : memref<16384xf32, #tpu.memory_space<vmem>>, vector<16xf32>,
      tpu.vector_store %arg13[%swap3A_176], %mul3A_133 {strides = array<i32>} : memref<16384xf32, #tpu.memory_space<vmem>>, vector<16xf32>,
      %add3A_178 = arith.constant 129 : i32
      %add3A_179 = vector.broadcast %add3A_178 : i32 to vector<16xi32>
      %add3A_180 = arith.addi %add3A_117, %add3A_179 : vector<16xi32>
      %add3A_181 = arith.constant 384 : i32
      %add3A_182 = arith.addi %add3A_145, %add3A_181 : i32
      %swap3A_183 = arith.index_cast %add3A_182 : i32 to index
      %swap3A_184 = tpu.vector_load %arg11[%swap3A_183] {strides = array<i32>} : memref<16384xi32, #tpu.memory_space<vmem>>, vector<16xi32>,
      tpu.vector_store %arg11[%swap3A_183], %add3A_180 {strides = array<i32>} : memref<16384xi32, #tpu.memory_space<vmem>>, vector<16xi32>,
      %add3A_185 = arith.constant 384 : i32
      %add3A_186 = arith.addi %add3A_145, %add3A_185 : i32
      %swap3A_187 = arith.index_cast %add3A_186 : i32 to index
      %swap3A_188 = tpu.vector_load %arg13[%swap3A_187] {strides = array<i32>} : memref<16384xf32, #tpu.memory_space<vmem>>, vector<16xf32>,
      tpu.vector_store %arg13[%swap3A_187], %mul3A_134 {strides = array<i32>} : memref<16384xf32, #tpu.memory_space<vmem>>, vector<16xf32>,
      %add3A_189 = arith.constant 16384 : i32
      %add3A_190 = vector.broadcast %add3A_189 : i32 to vector<16xi32>
      %add3A_191 = arith.addi %add3A_117, %add3A_190 : vector<16xi32>
      %add3A_192 = arith.constant 512 : i32
      %add3A_193 = arith.addi %add3A_145, %add3A_192 : i32
      %swap3A_194 = arith.index_cast %add3A_193 : i32 to index
      %swap3A_195 = tpu.vector_load %arg11[%swap3A_194] {strides = array<i32>} : memref<16384xi32, #tpu.memory_space<vmem>>, vector<16xi32>,
      tpu.vector_store %arg11[%swap3A_194], %add3A_191 {strides = array<i32>} : memref<16384xi32, #tpu.memory_space<vmem>>, vector<16xi32>,
      %add3A_196 = arith.constant 512 : i32
      %add3A_197 = arith.addi %add3A_145, %add3A_196 : i32
      %swap3A_198 = arith.index_cast %add3A_197 : i32 to index
      %swap3A_199 = tpu.vector_load %arg13[%swap3A_198] {strides = array<i32>} : memref<16384xf32, #tpu.memory_space<vmem>>, vector<16xf32>,
      tpu.vector_store %arg13[%swap3A_198], %mul3A_135 {strides = array<i32>} : memref<16384xf32, #tpu.memory_space<vmem>>, vector<16xf32>,
      %add3A_200 = arith.constant 16385 : i32
      %add3A_201 = vector.broadcast %add3A_200 : i32 to vector<16xi32>
      %add3A_202 = arith.addi %add3A_117, %add3A_201 : vector<16xi32>
      %add3A_203 = arith.constant 640 : i32
      %add3A_204 = arith.addi %add3A_145, %add3A_203 : i32
      %swap3A_205 = arith.index_cast %add3A_204 : i32 to index
      %swap3A_206 = tpu.vector_load %arg11[%swap3A_205] {strides = array<i32>} : memref<16384xi32, #tpu.memory_space<vmem>>, vector<16xi32>,
      tpu.vector_store %arg11[%swap3A_205], %add3A_202 {strides = array<i32>} : memref<16384xi32, #tpu.memory_space<vmem>>, vector<16xi32>,
      %add3A_207 = arith.constant 640 : i32
      %add3A_208 = arith.addi %add3A_145, %add3A_207 : i32
      %swap3A_209 = arith.index_cast %add3A_208 : i32 to index
      %swap3A_210 = tpu.vector_load %arg13[%swap3A_209] {strides = array<i32>} : memref<16384xf32, #tpu.memory_space<vmem>>, vector<16xf32>,
      tpu.vector_store %arg13[%swap3A_209], %mul3A_136 {strides = array<i32>} : memref<16384xf32, #tpu.memory_space<vmem>>, vector<16xf32>,
      %add3A_211 = arith.constant 16512 : i32
      %add3A_212 = vector.broadcast %add3A_211 : i32 to vector<16xi32>
      %add3A_213 = arith.addi %add3A_117, %add3A_212 : vector<16xi32>
      %add3A_214 = arith.constant 768 : i32
      %add3A_215 = arith.addi %add3A_145, %add3A_214 : i32
      %swap3A_216 = arith.index_cast %add3A_215 : i32 to index
      %swap3A_217 = tpu.vector_load %arg11[%swap3A_216] {strides = array<i32>} : memref<16384xi32, #tpu.memory_space<vmem>>, vector<16xi32>,
      tpu.vector_store %arg11[%swap3A_216], %add3A_213 {strides = array<i32>} : memref<16384xi32, #tpu.memory_space<vmem>>, vector<16xi32>,
      %add3A_218 = arith.constant 768 : i32
      %add3A_219 = arith.addi %add3A_145, %add3A_218 : i32
      %swap3A_220 = arith.index_cast %add3A_219 : i32 to index
      %swap3A_221 = tpu.vector_load %arg13[%swap3A_220] {strides = array<i32>} : memref<16384xf32, #tpu.memory_space<vmem>>, vector<16xf32>,
      tpu.vector_store %arg13[%swap3A_220], %mul3A_137 {strides = array<i32>} : memref<16384xf32, #tpu.memory_space<vmem>>, vector<16xf32>,
      %add3A_222 = arith.constant 16513 : i32
      %add3A_223 = vector.broadcast %add3A_222 : i32 to vector<16xi32>
      %add3A_224 = arith.addi %add3A_117, %add3A_223 : vector<16xi32>
      %add3A_225 = arith.constant 896 : i32
      %add3A_226 = arith.addi %add3A_145, %add3A_225 : i32
      %swap3A_227 = arith.index_cast %add3A_226 : i32 to index
      %swap3A_228 = tpu.vector_load %arg11[%swap3A_227] {strides = array<i32>} : memref<16384xi32, #tpu.memory_space<vmem>>, vector<16xi32>,
      tpu.vector_store %arg11[%swap3A_227], %add3A_224 {strides = array<i32>} : memref<16384xi32, #tpu.memory_space<vmem>>, vector<16xi32>,
      %add3A_229 = arith.constant 896 : i32
      %add3A_230 = arith.addi %add3A_145, %add3A_229 : i32
      %swap3A_231 = arith.index_cast %add3A_230 : i32 to index
      %swap3A_232 = tpu.vector_load %arg13[%swap3A_231] {strides = array<i32>} : memref<16384xf32, #tpu.memory_space<vmem>>, vector<16xf32>,
      tpu.vector_store %arg13[%swap3A_231], %mul3A_138 {strides = array<i32>} : memref<16384xf32, #tpu.memory_space<vmem>>, vector<16xf32>,
    }
    %scan3A_39 = arith.constant 128 : i32
    %dma_start3A_40 = arith.constant 0 : i32
    %dma_start3A_41 = tpu.memref_slice %arg5[%dma_start3A_40] : memref<2097152xi32, #tpu.memory_space<hbm>> -> memref<2097152xi32, #tpu.memory_space<hbm>>
    tpu.enqueue_indirect_dma source(%dma_start3A_41 : memref<2097152xi32, #tpu.memory_space<hbm>>) target(%arg12 : memref<16384xi32, #tpu.memory_space<vmem>>) offsets(%arg11 : memref<16384xi32, #tpu.memory_space<vmem>>) semaphore(%arg17 : memref<!tpu.dma_semaphore, #tpu.memory_space<semaphore_mem>>)
    %dma_wait3A_42 = arith.constant 0 : i32
    %dma_wait3A_43 = tpu.memref_slice %arg5[%dma_wait3A_42] : memref<2097152xi32, #tpu.memory_space<hbm>> -> memref<2097152xi32, #tpu.memory_space<hbm>>
    tpu.wait_indirect_dma semaphore(%arg18 : memref<!tpu.dma_semaphore, #tpu.memory_space<semaphore_mem>>) src(%dma_wait3A_43 : memref<2097152xi32, #tpu.memory_space<hbm>>) dst(%arg15 : memref<16384xi32, #tpu.memory_space<vmem>>)
    %mul3A_44 = arith.constant 8 : i32
    %mul3A_45 = arith.muli %add3A_16, %mul3A_44 : i32
    "tpu.region"() ({
      %run_scoped3A = tpu.sem_alloc : memref<!tpu.dma_semaphore, #tpu.memory_space<semaphore_mem>>
      %dma_start3A_70 = tpu.memref_slice %arg6[%mul3A_45] : memref<2097152xi32, #tpu.memory_space<hbm>> -> memref<16384xi32, #tpu.memory_space<hbm>>
      %dma_start3A_71 = tpu.memref_slice %arg6[%mul3A_45] : memref<2097152xi32, #tpu.memory_space<hbm>> -> memref<16384xi32, #tpu.memory_space<hbm>>
      tpu.enqueue_dma source(%arg15 : memref<16384xi32, #tpu.memory_space<vmem>>) target(%dma_start3A_71 : memref<16384xi32, #tpu.memory_space<hbm>>) target_semaphore(%run_scoped3A : memref<!tpu.dma_semaphore, #tpu.memory_space<semaphore_mem>>)
      %dma_wait3A_72 = tpu.memref_slice %arg6[%mul3A_45] : memref<2097152xi32, #tpu.memory_space<hbm>> -> memref<16384xi32, #tpu.memory_space<hbm>>
      %dma_wait3A_73 = tpu.memref_slice %arg6[%mul3A_45] : memref<2097152xi32, #tpu.memory_space<hbm>> -> memref<16384xi32, #tpu.memory_space<hbm>>
      tpu.wait_dma2 semaphore(%run_scoped3A : memref<!tpu.dma_semaphore, #tpu.memory_space<semaphore_mem>>) src(%arg15 : memref<16384xi32, #tpu.memory_space<vmem>>) dst(%dma_wait3A_73 : memref<16384xi32, #tpu.memory_space<hbm>>)
      tpu.yield
    }) : () -> ()
    %mul3A_46 = arith.constant 8 : i32
    %mul3A_47 = arith.muli %add3A_33, %mul3A_46 : i32
    "tpu.region"() ({
      %run_scoped3A = tpu.sem_alloc : memref<!tpu.dma_semaphore, #tpu.memory_space<semaphore_mem>>
      %dma_start3A_70 = tpu.memref_slice %arg7[%mul3A_47] : memref<2097152xf32, #tpu.memory_space<hbm>> -> memref<16384xf32, #tpu.memory_space<hbm>>
      %dma_start3A_71 = tpu.memref_slice %arg7[%mul3A_47] : memref<2097152xf32, #tpu.memory_space<hbm>> -> memref<16384xf32, #tpu.memory_space<hbm>>
      tpu.enqueue_dma source(%arg13 : memref<16384xf32, #tpu.memory_space<vmem>>) target(%dma_start3A_71 : memref<16384xf32, #tpu.memory_space<hbm>>) target_semaphore(%run_scoped3A : memref<!tpu.dma_semaphore, #tpu.memory_space<semaphore_mem>>)
      %dma_wait3A_72 = tpu.memref_slice %arg7[%mul3A_47] : memref<2097152xf32, #tpu.memory_space<hbm>> -> memref<16384xf32, #tpu.memory_space<hbm>>
      %dma_wait3A_73 = tpu.memref_slice %arg7[%mul3A_47] : memref<2097152xf32, #tpu.memory_space<hbm>> -> memref<16384xf32, #tpu.memory_space<hbm>>
      tpu.wait_dma2 semaphore(%run_scoped3A : memref<!tpu.dma_semaphore, #tpu.memory_space<semaphore_mem>>) src(%arg13 : memref<16384xf32, #tpu.memory_space<vmem>>) dst(%dma_wait3A_73 : memref<16384xf32, #tpu.memory_space<hbm>>)
      tpu.yield
    }) : () -> ()
    %mul3A_48 = arith.constant 8192 : i32
    %mul3A_49 = arith.muli %add3A, %mul3A_48 : i32
    %add3A_50 = arith.constant 6144 : i32
    %add3A_51 = arith.addi %mul3A_49, %add3A_50 : i32
    "tpu.region"() ({
      %run_scoped3A = tpu.sem_alloc : memref<!tpu.dma_semaphore, #tpu.memory_space<semaphore_mem>>
      %dma_start3A_70 = tpu.memref_slice %arg2[%add3A_51] : memref<262144xf32, #tpu.memory_space<hbm>> -> memref<2048xf32, #tpu.memory_space<hbm>>
      %dma_start3A_71 = tpu.memref_slice %arg2[%add3A_51] : memref<262144xf32, #tpu.memory_space<hbm>> -> memref<2048xf32, #tpu.memory_space<hbm>>
      tpu.enqueue_dma source(%dma_start3A_71 : memref<2048xf32, #tpu.memory_space<hbm>>) target(%arg8 : memref<2048xf32, #tpu.memory_space<vmem>>) target_semaphore(%run_scoped3A : memref<!tpu.dma_semaphore, #tpu.memory_space<semaphore_mem>>)
      %dma_wait3A_72 = tpu.memref_slice %arg2[%add3A_51] : memref<262144xf32, #tpu.memory_space<hbm>> -> memref<2048xf32, #tpu.memory_space<hbm>>
      %dma_wait3A_73 = tpu.memref_slice %arg2[%add3A_51] : memref<262144xf32, #tpu.memory_space<hbm>> -> memref<2048xf32, #tpu.memory_space<hbm>>
      tpu.wait_dma2 semaphore(%run_scoped3A : memref<!tpu.dma_semaphore, #tpu.memory_space<semaphore_mem>>) src(%dma_wait3A_73 : memref<2048xf32, #tpu.memory_space<hbm>>) dst(%arg8 : memref<2048xf32, #tpu.memory_space<vmem>>)
      tpu.yield
    }) : () -> ()
    "tpu.region"() ({
      %run_scoped3A = tpu.sem_alloc : memref<!tpu.dma_semaphore, #tpu.memory_space<semaphore_mem>>
      %dma_start3A_70 = tpu.memref_slice %arg3[%add3A_51] : memref<262144xf32, #tpu.memory_space<hbm>> -> memref<2048xf32, #tpu.memory_space<hbm>>
      %dma_start3A_71 = tpu.memref_slice %arg3[%add3A_51] : memref<262144xf32, #tpu.memory_space<hbm>> -> memref<2048xf32, #tpu.memory_space<hbm>>
      tpu.enqueue_dma source(%dma_start3A_71 : memref<2048xf32, #tpu.memory_space<hbm>>) target(%arg9 : memref<2048xf32, #tpu.memory_space<vmem>>) target_semaphore(%run_scoped3A : memref<!tpu.dma_semaphore, #tpu.memory_space<semaphore_mem>>)
      %dma_wait3A_72 = tpu.memref_slice %arg3[%add3A_51] : memref<262144xf32, #tpu.memory_space<hbm>> -> memref<2048xf32, #tpu.memory_space<hbm>>
      %dma_wait3A_73 = tpu.memref_slice %arg3[%add3A_51] : memref<262144xf32, #tpu.memory_space<hbm>> -> memref<2048xf32, #tpu.memory_space<hbm>>
      tpu.wait_dma2 semaphore(%run_scoped3A : memref<!tpu.dma_semaphore, #tpu.memory_space<semaphore_mem>>) src(%dma_wait3A_73 : memref<2048xf32, #tpu.memory_space<hbm>>) dst(%arg9 : memref<2048xf32, #tpu.memory_space<vmem>>)
      tpu.yield
    }) : () -> ()
    "tpu.region"() ({
      %run_scoped3A = tpu.sem_alloc : memref<!tpu.dma_semaphore, #tpu.memory_space<semaphore_mem>>
      %dma_start3A_70 = tpu.memref_slice %arg4[%add3A_51] : memref<262144xf32, #tpu.memory_space<hbm>> -> memref<2048xf32, #tpu.memory_space<hbm>>
      %dma_start3A_71 = tpu.memref_slice %arg4[%add3A_51] : memref<262144xf32, #tpu.memory_space<hbm>> -> memref<2048xf32, #tpu.memory_space<hbm>>
      tpu.enqueue_dma source(%dma_start3A_71 : memref<2048xf32, #tpu.memory_space<hbm>>) target(%arg10 : memref<2048xf32, #tpu.memory_space<vmem>>) target_semaphore(%run_scoped3A : memref<!tpu.dma_semaphore, #tpu.memory_space<semaphore_mem>>)
      %dma_wait3A_72 = tpu.memref_slice %arg4[%add3A_51] : memref<262144xf32, #tpu.memory_space<hbm>> -> memref<2048xf32, #tpu.memory_space<hbm>>
      %dma_wait3A_73 = tpu.memref_slice %arg4[%add3A_51] : memref<262144xf32, #tpu.memory_space<hbm>> -> memref<2048xf32, #tpu.memory_space<hbm>>
      tpu.wait_dma2 semaphore(%run_scoped3A : memref<!tpu.dma_semaphore, #tpu.memory_space<semaphore_mem>>) src(%dma_wait3A_73 : memref<2048xf32, #tpu.memory_space<hbm>>) dst(%arg10 : memref<2048xf32, #tpu.memory_space<vmem>>)
      tpu.yield
    }) : () -> ()
    %scan3A_52 = arith.constant 0 : i32
    %scan3A_53 = arith.constant 0 : i32
    %scan3A_54 = arith.constant 128 : i32
    %scan3A_55 = arith.addi %scan3A_53, %scan3A_54 : i32
    %scan3A_56 = arith.constant 1 : i32
    scf.for %scan3A_70 = %scan3A_53 to %scan3A_55 step %scan3A_56  : i32 {
      %mul3A_71 = arith.constant 16 : i32
      %mul3A_72 = arith.muli %scan3A_70, %mul3A_71 : i32
      %get3A = arith.index_cast %mul3A_72 : i32 to index
      %get3A_73 = tpu.vector_load %arg8[%get3A] {strides = array<i32>} : memref<2048xf32, #tpu.memory_space<vmem>>, vector<16xf32>,
      %max3A = arith.constant 0.000000e+00 : f32
      %max3A_74 = vector.broadcast %max3A : f32 to vector<16xf32>
      %max3A_75 = arith.maximumf %get3A_73, %max3A_74 : vector<16xf32>
      %min3A = arith.constant 1.270000e+02 : f32
      %min3A_76 = vector.broadcast %min3A : f32 to vector<16xf32>
      %min3A_77 = arith.minimumf %max3A_75, %min3A_76 : vector<16xf32>
      %convert_element_type3A = arith.fptosi %min3A_77 : vector<16xf32> to vector<16xi32>
      %min3A_78 = arith.constant 126 : i32
      %min3A_79 = vector.broadcast %min3A_78 : i32 to vector<16xi32>
      %min3A_80 = arith.minsi %convert_element_type3A, %min3A_79 : vector<16xi32>
      %convert_element_type3A_81 = arith.sitofp %min3A_80 : vector<16xi32> to vector<16xf32>
      %sub3A = arith.subf %min3A_77, %convert_element_type3A_81 : vector<16xf32>
      %get3A_82 = arith.index_cast %mul3A_72 : i32 to index
      %get3A_83 = tpu.vector_load %arg9[%get3A_82] {strides = array<i32>} : memref<2048xf32, #tpu.memory_space<vmem>>, vector<16xf32>,
      %max3A_84 = arith.constant 0.000000e+00 : f32
      %max3A_85 = vector.broadcast %max3A_84 : f32 to vector<16xf32>
      %max3A_86 = arith.maximumf %get3A_83, %max3A_85 : vector<16xf32>
      %min3A_87 = arith.constant 1.270000e+02 : f32
      %min3A_88 = vector.broadcast %min3A_87 : f32 to vector<16xf32>
      %min3A_89 = arith.minimumf %max3A_86, %min3A_88 : vector<16xf32>
      %convert_element_type3A_90 = arith.fptosi %min3A_89 : vector<16xf32> to vector<16xi32>
      %min3A_91 = arith.constant 126 : i32
      %min3A_92 = vector.broadcast %min3A_91 : i32 to vector<16xi32>
      %min3A_93 = arith.minsi %convert_element_type3A_90, %min3A_92 : vector<16xi32>
      %convert_element_type3A_94 = arith.sitofp %min3A_93 : vector<16xi32> to vector<16xf32>
      %sub3A_95 = arith.subf %min3A_89, %convert_element_type3A_94 : vector<16xf32>
      %get3A_96 = arith.index_cast %mul3A_72 : i32 to index
      %get3A_97 = tpu.vector_load %arg10[%get3A_96] {strides = array<i32>} : memref<2048xf32, #tpu.memory_space<vmem>>, vector<16xf32>,
      %max3A_98 = arith.constant 0.000000e+00 : f32
      %max3A_99 = vector.broadcast %max3A_98 : f32 to vector<16xf32>
      %max3A_100 = arith.maximumf %get3A_97, %max3A_99 : vector<16xf32>
      %min3A_101 = arith.constant 1.270000e+02 : f32
      %min3A_102 = vector.broadcast %min3A_101 : f32 to vector<16xf32>
      %min3A_103 = arith.minimumf %max3A_100, %min3A_102 : vector<16xf32>
      %convert_element_type3A_104 = arith.fptosi %min3A_103 : vector<16xf32> to vector<16xi32>
      %min3A_105 = arith.constant 126 : i32
      %min3A_106 = vector.broadcast %min3A_105 : i32 to vector<16xi32>
      %min3A_107 = arith.minsi %convert_element_type3A_104, %min3A_106 : vector<16xi32>
      %convert_element_type3A_108 = arith.sitofp %min3A_107 : vector<16xi32> to vector<16xf32>
      %sub3A_109 = arith.subf %min3A_103, %convert_element_type3A_108 : vector<16xf32>
      %mul3A_110 = arith.constant 16384 : i32
      %mul3A_111 = vector.broadcast %mul3A_110 : i32 to vector<16xi32>
      %mul3A_112 = arith.muli %min3A_107, %mul3A_111 : vector<16xi32>
      %mul3A_113 = arith.constant 128 : i32
      %mul3A_114 = vector.broadcast %mul3A_113 : i32 to vector<16xi32>
      %mul3A_115 = arith.muli %min3A_93, %mul3A_114 : vector<16xi32>
      %add3A_116 = arith.addi %mul3A_112, %mul3A_115 : vector<16xi32>
      %add3A_117 = arith.addi %add3A_116, %min3A_80 : vector<16xi32>
      %sub3A_118 = arith.constant 1.000000e+00 : f32
      %sub3A_119 = vector.broadcast %sub3A_118 : f32 to vector<16xf32>
      %sub3A_120 = arith.subf %sub3A_119, %sub3A : vector<16xf32>
      %sub3A_121 = arith.constant 1.000000e+00 : f32
      %sub3A_122 = vector.broadcast %sub3A_121 : f32 to vector<16xf32>
      %sub3A_123 = arith.subf %sub3A_122, %sub3A_95 : vector<16xf32>
      %sub3A_124 = arith.constant 1.000000e+00 : f32
      %sub3A_125 = vector.broadcast %sub3A_124 : f32 to vector<16xf32>
      %sub3A_126 = arith.subf %sub3A_125, %sub3A_109 : vector<16xf32>
      %mul3A_127 = arith.mulf %sub3A_126, %sub3A_123 : vector<16xf32>
      %mul3A_128 = arith.mulf %sub3A_126, %sub3A_95 : vector<16xf32>
      %mul3A_129 = arith.mulf %sub3A_109, %sub3A_123 : vector<16xf32>
      %mul3A_130 = arith.mulf %sub3A_109, %sub3A_95 : vector<16xf32>
      %mul3A_131 = arith.mulf %mul3A_127, %sub3A_120 : vector<16xf32>
      %mul3A_132 = arith.mulf %mul3A_127, %sub3A : vector<16xf32>
      %mul3A_133 = arith.mulf %mul3A_128, %sub3A_120 : vector<16xf32>
      %mul3A_134 = arith.mulf %mul3A_128, %sub3A : vector<16xf32>
      %mul3A_135 = arith.mulf %mul3A_129, %sub3A_120 : vector<16xf32>
      %mul3A_136 = arith.mulf %mul3A_129, %sub3A : vector<16xf32>
      %mul3A_137 = arith.mulf %mul3A_130, %sub3A_120 : vector<16xf32>
      %mul3A_138 = arith.mulf %mul3A_130, %sub3A : vector<16xf32>
      %shift_right_arithmetic3A = arith.constant 3 : i32
      %shift_right_arithmetic3A_139 = arith.shrsi %scan3A_70, %shift_right_arithmetic3A : i32
      %mul3A_140 = arith.constant 1024 : i32
      %mul3A_141 = arith.muli %shift_right_arithmetic3A_139, %mul3A_140 : i32
      %and3A = arith.constant 7 : i32
      %and3A_142 = arith.andi %scan3A_70, %and3A : i32
      %mul3A_143 = arith.constant 16 : i32
      %mul3A_144 = arith.muli %and3A_142, %mul3A_143 : i32
      %add3A_145 = arith.addi %mul3A_141, %mul3A_144 : i32
      %add3A_146 = arith.constant 0 : i32
      %add3A_147 = vector.broadcast %add3A_146 : i32 to vector<16xi32>
      %add3A_148 = arith.addi %add3A_117, %add3A_147 : vector<16xi32>
      %add3A_149 = arith.constant 0 : i32
      %add3A_150 = arith.addi %add3A_145, %add3A_149 : i32
      %swap3A = arith.index_cast %add3A_150 : i32 to index
      %swap3A_151 = tpu.vector_load %arg14[%swap3A] {strides = array<i32>} : memref<16384xi32, #tpu.memory_space<vmem>>, vector<16xi32>,
      tpu.vector_store %arg14[%swap3A], %add3A_148 {strides = array<i32>} : memref<16384xi32, #tpu.memory_space<vmem>>, vector<16xi32>,
      %add3A_152 = arith.constant 0 : i32
      %add3A_153 = arith.addi %add3A_145, %add3A_152 : i32
      %swap3A_154 = arith.index_cast %add3A_153 : i32 to index
      %swap3A_155 = tpu.vector_load %arg16[%swap3A_154] {strides = array<i32>} : memref<16384xf32, #tpu.memory_space<vmem>>, vector<16xf32>,
      tpu.vector_store %arg16[%swap3A_154], %mul3A_131 {strides = array<i32>} : memref<16384xf32, #tpu.memory_space<vmem>>, vector<16xf32>,
      %add3A_156 = arith.constant 1 : i32
      %add3A_157 = vector.broadcast %add3A_156 : i32 to vector<16xi32>
      %add3A_158 = arith.addi %add3A_117, %add3A_157 : vector<16xi32>
      %add3A_159 = arith.constant 128 : i32
      %add3A_160 = arith.addi %add3A_145, %add3A_159 : i32
      %swap3A_161 = arith.index_cast %add3A_160 : i32 to index
      %swap3A_162 = tpu.vector_load %arg14[%swap3A_161] {strides = array<i32>} : memref<16384xi32, #tpu.memory_space<vmem>>, vector<16xi32>,
      tpu.vector_store %arg14[%swap3A_161], %add3A_158 {strides = array<i32>} : memref<16384xi32, #tpu.memory_space<vmem>>, vector<16xi32>,
      %add3A_163 = arith.constant 128 : i32
      %add3A_164 = arith.addi %add3A_145, %add3A_163 : i32
      %swap3A_165 = arith.index_cast %add3A_164 : i32 to index
      %swap3A_166 = tpu.vector_load %arg16[%swap3A_165] {strides = array<i32>} : memref<16384xf32, #tpu.memory_space<vmem>>, vector<16xf32>,
      tpu.vector_store %arg16[%swap3A_165], %mul3A_132 {strides = array<i32>} : memref<16384xf32, #tpu.memory_space<vmem>>, vector<16xf32>,
      %add3A_167 = arith.constant 128 : i32
      %add3A_168 = vector.broadcast %add3A_167 : i32 to vector<16xi32>
      %add3A_169 = arith.addi %add3A_117, %add3A_168 : vector<16xi32>
      %add3A_170 = arith.constant 256 : i32
      %add3A_171 = arith.addi %add3A_145, %add3A_170 : i32
      %swap3A_172 = arith.index_cast %add3A_171 : i32 to index
      %swap3A_173 = tpu.vector_load %arg14[%swap3A_172] {strides = array<i32>} : memref<16384xi32, #tpu.memory_space<vmem>>, vector<16xi32>,
      tpu.vector_store %arg14[%swap3A_172], %add3A_169 {strides = array<i32>} : memref<16384xi32, #tpu.memory_space<vmem>>, vector<16xi32>,
      %add3A_174 = arith.constant 256 : i32
      %add3A_175 = arith.addi %add3A_145, %add3A_174 : i32
      %swap3A_176 = arith.index_cast %add3A_175 : i32 to index
      %swap3A_177 = tpu.vector_load %arg16[%swap3A_176] {strides = array<i32>} : memref<16384xf32, #tpu.memory_space<vmem>>, vector<16xf32>,
      tpu.vector_store %arg16[%swap3A_176], %mul3A_133 {strides = array<i32>} : memref<16384xf32, #tpu.memory_space<vmem>>, vector<16xf32>,
      %add3A_178 = arith.constant 129 : i32
      %add3A_179 = vector.broadcast %add3A_178 : i32 to vector<16xi32>
      %add3A_180 = arith.addi %add3A_117, %add3A_179 : vector<16xi32>
      %add3A_181 = arith.constant 384 : i32
      %add3A_182 = arith.addi %add3A_145, %add3A_181 : i32
      %swap3A_183 = arith.index_cast %add3A_182 : i32 to index
      %swap3A_184 = tpu.vector_load %arg14[%swap3A_183] {strides = array<i32>} : memref<16384xi32, #tpu.memory_space<vmem>>, vector<16xi32>,
      tpu.vector_store %arg14[%swap3A_183], %add3A_180 {strides = array<i32>} : memref<16384xi32, #tpu.memory_space<vmem>>, vector<16xi32>,
      %add3A_185 = arith.constant 384 : i32
      %add3A_186 = arith.addi %add3A_145, %add3A_185 : i32
      %swap3A_187 = arith.index_cast %add3A_186 : i32 to index
      %swap3A_188 = tpu.vector_load %arg16[%swap3A_187] {strides = array<i32>} : memref<16384xf32, #tpu.memory_space<vmem>>, vector<16xf32>,
      tpu.vector_store %arg16[%swap3A_187], %mul3A_134 {strides = array<i32>} : memref<16384xf32, #tpu.memory_space<vmem>>, vector<16xf32>,
      %add3A_189 = arith.constant 16384 : i32
      %add3A_190 = vector.broadcast %add3A_189 : i32 to vector<16xi32>
      %add3A_191 = arith.addi %add3A_117, %add3A_190 : vector<16xi32>
      %add3A_192 = arith.constant 512 : i32
      %add3A_193 = arith.addi %add3A_145, %add3A_192 : i32
      %swap3A_194 = arith.index_cast %add3A_193 : i32 to index
      %swap3A_195 = tpu.vector_load %arg14[%swap3A_194] {strides = array<i32>} : memref<16384xi32, #tpu.memory_space<vmem>>, vector<16xi32>,
      tpu.vector_store %arg14[%swap3A_194], %add3A_191 {strides = array<i32>} : memref<16384xi32, #tpu.memory_space<vmem>>, vector<16xi32>,
      %add3A_196 = arith.constant 512 : i32
      %add3A_197 = arith.addi %add3A_145, %add3A_196 : i32
      %swap3A_198 = arith.index_cast %add3A_197 : i32 to index
      %swap3A_199 = tpu.vector_load %arg16[%swap3A_198] {strides = array<i32>} : memref<16384xf32, #tpu.memory_space<vmem>>, vector<16xf32>,
      tpu.vector_store %arg16[%swap3A_198], %mul3A_135 {strides = array<i32>} : memref<16384xf32, #tpu.memory_space<vmem>>, vector<16xf32>,
      %add3A_200 = arith.constant 16385 : i32
      %add3A_201 = vector.broadcast %add3A_200 : i32 to vector<16xi32>
      %add3A_202 = arith.addi %add3A_117, %add3A_201 : vector<16xi32>
      %add3A_203 = arith.constant 640 : i32
      %add3A_204 = arith.addi %add3A_145, %add3A_203 : i32
      %swap3A_205 = arith.index_cast %add3A_204 : i32 to index
      %swap3A_206 = tpu.vector_load %arg14[%swap3A_205] {strides = array<i32>} : memref<16384xi32, #tpu.memory_space<vmem>>, vector<16xi32>,
      tpu.vector_store %arg14[%swap3A_205], %add3A_202 {strides = array<i32>} : memref<16384xi32, #tpu.memory_space<vmem>>, vector<16xi32>,
      %add3A_207 = arith.constant 640 : i32
      %add3A_208 = arith.addi %add3A_145, %add3A_207 : i32
      %swap3A_209 = arith.index_cast %add3A_208 : i32 to index
      %swap3A_210 = tpu.vector_load %arg16[%swap3A_209] {strides = array<i32>} : memref<16384xf32, #tpu.memory_space<vmem>>, vector<16xf32>,
      tpu.vector_store %arg16[%swap3A_209], %mul3A_136 {strides = array<i32>} : memref<16384xf32, #tpu.memory_space<vmem>>, vector<16xf32>,
      %add3A_211 = arith.constant 16512 : i32
      %add3A_212 = vector.broadcast %add3A_211 : i32 to vector<16xi32>
      %add3A_213 = arith.addi %add3A_117, %add3A_212 : vector<16xi32>
      %add3A_214 = arith.constant 768 : i32
      %add3A_215 = arith.addi %add3A_145, %add3A_214 : i32
      %swap3A_216 = arith.index_cast %add3A_215 : i32 to index
      %swap3A_217 = tpu.vector_load %arg14[%swap3A_216] {strides = array<i32>} : memref<16384xi32, #tpu.memory_space<vmem>>, vector<16xi32>,
      tpu.vector_store %arg14[%swap3A_216], %add3A_213 {strides = array<i32>} : memref<16384xi32, #tpu.memory_space<vmem>>, vector<16xi32>,
      %add3A_218 = arith.constant 768 : i32
      %add3A_219 = arith.addi %add3A_145, %add3A_218 : i32
      %swap3A_220 = arith.index_cast %add3A_219 : i32 to index
      %swap3A_221 = tpu.vector_load %arg16[%swap3A_220] {strides = array<i32>} : memref<16384xf32, #tpu.memory_space<vmem>>, vector<16xf32>,
      tpu.vector_store %arg16[%swap3A_220], %mul3A_137 {strides = array<i32>} : memref<16384xf32, #tpu.memory_space<vmem>>, vector<16xf32>,
      %add3A_222 = arith.constant 16513 : i32
      %add3A_223 = vector.broadcast %add3A_222 : i32 to vector<16xi32>
      %add3A_224 = arith.addi %add3A_117, %add3A_223 : vector<16xi32>
      %add3A_225 = arith.constant 896 : i32
      %add3A_226 = arith.addi %add3A_145, %add3A_225 : i32
      %swap3A_227 = arith.index_cast %add3A_226 : i32 to index
      %swap3A_228 = tpu.vector_load %arg14[%swap3A_227] {strides = array<i32>} : memref<16384xi32, #tpu.memory_space<vmem>>, vector<16xi32>,
      tpu.vector_store %arg14[%swap3A_227], %add3A_224 {strides = array<i32>} : memref<16384xi32, #tpu.memory_space<vmem>>, vector<16xi32>,
      %add3A_229 = arith.constant 896 : i32
      %add3A_230 = arith.addi %add3A_145, %add3A_229 : i32
      %swap3A_231 = arith.index_cast %add3A_230 : i32 to index
      %swap3A_232 = tpu.vector_load %arg16[%swap3A_231] {strides = array<i32>} : memref<16384xf32, #tpu.memory_space<vmem>>, vector<16xf32>,
      tpu.vector_store %arg16[%swap3A_231], %mul3A_138 {strides = array<i32>} : memref<16384xf32, #tpu.memory_space<vmem>>, vector<16xf32>,
    }
    %scan3A_57 = arith.constant 128 : i32
    %dma_start3A_58 = arith.constant 0 : i32
    %dma_start3A_59 = tpu.memref_slice %arg5[%dma_start3A_58] : memref<2097152xi32, #tpu.memory_space<hbm>> -> memref<2097152xi32, #tpu.memory_space<hbm>>
    tpu.enqueue_indirect_dma source(%dma_start3A_59 : memref<2097152xi32, #tpu.memory_space<hbm>>) target(%arg15 : memref<16384xi32, #tpu.memory_space<vmem>>) offsets(%arg14 : memref<16384xi32, #tpu.memory_space<vmem>>) semaphore(%arg18 : memref<!tpu.dma_semaphore, #tpu.memory_space<semaphore_mem>>)
    %dma_wait3A_60 = arith.constant 0 : i32
    %dma_wait3A_61 = tpu.memref_slice %arg5[%dma_wait3A_60] : memref<2097152xi32, #tpu.memory_space<hbm>> -> memref<2097152xi32, #tpu.memory_space<hbm>>
    tpu.wait_indirect_dma semaphore(%arg17 : memref<!tpu.dma_semaphore, #tpu.memory_space<semaphore_mem>>) src(%dma_wait3A_61 : memref<2097152xi32, #tpu.memory_space<hbm>>) dst(%arg12 : memref<16384xi32, #tpu.memory_space<vmem>>)
    %mul3A_62 = arith.constant 8 : i32
    %mul3A_63 = arith.muli %add3A_33, %mul3A_62 : i32
    "tpu.region"() ({
      %run_scoped3A = tpu.sem_alloc : memref<!tpu.dma_semaphore, #tpu.memory_space<semaphore_mem>>
      %dma_start3A_70 = tpu.memref_slice %arg6[%mul3A_63] : memref<2097152xi32, #tpu.memory_space<hbm>> -> memref<16384xi32, #tpu.memory_space<hbm>>
      %dma_start3A_71 = tpu.memref_slice %arg6[%mul3A_63] : memref<2097152xi32, #tpu.memory_space<hbm>> -> memref<16384xi32, #tpu.memory_space<hbm>>
      tpu.enqueue_dma source(%arg12 : memref<16384xi32, #tpu.memory_space<vmem>>) target(%dma_start3A_71 : memref<16384xi32, #tpu.memory_space<hbm>>) target_semaphore(%run_scoped3A : memref<!tpu.dma_semaphore, #tpu.memory_space<semaphore_mem>>)
      %dma_wait3A_72 = tpu.memref_slice %arg6[%mul3A_63] : memref<2097152xi32, #tpu.memory_space<hbm>> -> memref<16384xi32, #tpu.memory_space<hbm>>
      %dma_wait3A_73 = tpu.memref_slice %arg6[%mul3A_63] : memref<2097152xi32, #tpu.memory_space<hbm>> -> memref<16384xi32, #tpu.memory_space<hbm>>
      tpu.wait_dma2 semaphore(%run_scoped3A : memref<!tpu.dma_semaphore, #tpu.memory_space<semaphore_mem>>) src(%arg12 : memref<16384xi32, #tpu.memory_space<vmem>>) dst(%dma_wait3A_73 : memref<16384xi32, #tpu.memory_space<hbm>>)
      tpu.yield
    }) : () -> ()
    %mul3A_64 = arith.constant 8 : i32
    %mul3A_65 = arith.muli %add3A_51, %mul3A_64 : i32
    "tpu.region"() ({
      %run_scoped3A = tpu.sem_alloc : memref<!tpu.dma_semaphore, #tpu.memory_space<semaphore_mem>>
      %dma_start3A_70 = tpu.memref_slice %arg7[%mul3A_65] : memref<2097152xf32, #tpu.memory_space<hbm>> -> memref<16384xf32, #tpu.memory_space<hbm>>
      %dma_start3A_71 = tpu.memref_slice %arg7[%mul3A_65] : memref<2097152xf32, #tpu.memory_space<hbm>> -> memref<16384xf32, #tpu.memory_space<hbm>>
      tpu.enqueue_dma source(%arg16 : memref<16384xf32, #tpu.memory_space<vmem>>) target(%dma_start3A_71 : memref<16384xf32, #tpu.memory_space<hbm>>) target_semaphore(%run_scoped3A : memref<!tpu.dma_semaphore, #tpu.memory_space<semaphore_mem>>)
      %dma_wait3A_72 = tpu.memref_slice %arg7[%mul3A_65] : memref<2097152xf32, #tpu.memory_space<hbm>> -> memref<16384xf32, #tpu.memory_space<hbm>>
      %dma_wait3A_73 = tpu.memref_slice %arg7[%mul3A_65] : memref<2097152xf32, #tpu.memory_space<hbm>> -> memref<16384xf32, #tpu.memory_space<hbm>>
      tpu.wait_dma2 semaphore(%run_scoped3A : memref<!tpu.dma_semaphore, #tpu.memory_space<semaphore_mem>>) src(%arg16 : memref<16384xf32, #tpu.memory_space<vmem>>) dst(%dma_wait3A_73 : memref<16384xf32, #tpu.memory_space<hbm>>)
      tpu.yield
    }) : () -> ()
    %dma_wait3A_66 = arith.constant 0 : i32
    %dma_wait3A_67 = tpu.memref_slice %arg5[%dma_wait3A_66] : memref<2097152xi32, #tpu.memory_space<hbm>> -> memref<2097152xi32, #tpu.memory_space<hbm>>
    tpu.wait_indirect_dma semaphore(%arg18 : memref<!tpu.dma_semaphore, #tpu.memory_space<semaphore_mem>>) src(%dma_wait3A_67 : memref<2097152xi32, #tpu.memory_space<hbm>>) dst(%arg15 : memref<16384xi32, #tpu.memory_space<vmem>>)
    %mul3A_68 = arith.constant 8 : i32
    %mul3A_69 = arith.muli %add3A_51, %mul3A_68 : i32
    "tpu.region"() ({
      %run_scoped3A = tpu.sem_alloc : memref<!tpu.dma_semaphore, #tpu.memory_space<semaphore_mem>>
      %dma_start3A_70 = tpu.memref_slice %arg6[%mul3A_69] : memref<2097152xi32, #tpu.memory_space<hbm>> -> memref<16384xi32, #tpu.memory_space<hbm>>
      %dma_start3A_71 = tpu.memref_slice %arg6[%mul3A_69] : memref<2097152xi32, #tpu.memory_space<hbm>> -> memref<16384xi32, #tpu.memory_space<hbm>>
      tpu.enqueue_dma source(%arg15 : memref<16384xi32, #tpu.memory_space<vmem>>) target(%dma_start3A_71 : memref<16384xi32, #tpu.memory_space<hbm>>) target_semaphore(%run_scoped3A : memref<!tpu.dma_semaphore, #tpu.memory_space<semaphore_mem>>)
      %dma_wait3A_72 = tpu.memref_slice %arg6[%mul3A_69] : memref<2097152xi32, #tpu.memory_space<hbm>> -> memref<16384xi32, #tpu.memory_space<hbm>>
      %dma_wait3A_73 = tpu.memref_slice %arg6[%mul3A_69] : memref<2097152xi32, #tpu.memory_space<hbm>> -> memref<16384xi32, #tpu.memory_space<hbm>>
      tpu.wait_dma2 semaphore(%run_scoped3A : memref<!tpu.dma_semaphore, #tpu.memory_space<semaphore_mem>>) src(%arg15 : memref<16384xi32, #tpu.memory_space<vmem>>) dst(%dma_wait3A_73 : memref<16384xi32, #tpu.memory_space<hbm>>)
      tpu.yield
    }) : () -> ()
    return
  }
}

</mosaic_0001>

<sc_bundles>
// kernel: kernel.3.cloned.1.call-start
scs
__scs_entry_jumppad:
0x0: {  	(pc) =	sbr.rel $0x88, $3  }
0x1: {  	(tag) =	ssettag $0x0;
	lr =	simm.s32 $0x1  }
0x2: {  	[smem:$0x3F9D] =	sst lr;
	_ =	strace $0xD0000000  }
0x3: {  	_ = 	snop  }
0x4: {  	_ = 	snop  }
0x5: {  	_ = 	snop  }
0x6: {  	_ = 	snop  }
0x7: {  	_ = 	snop  }
__scs_overlays_trampoline_lowered:
0x8: {  	[smem:$0x3FAC] =	sst s0  }
0x9: {  	[smem:$0x3FAD] =	sst s1  }
0xa: {  	[smem:$0x3FAE] =	sst s2  }
0xb: {  	[smem:$0x3FAF] =	sst s3  }
0xc: {  	[smem:$0x3FB0] =	sst s4  }
0xd: {  	[smem:$0x3FB1] =	sst s5  }
0xe: {  	[smem:$0x3FB2] =	sst s6  }
0xf: {  	[smem:$0x3FB3] =	sst s7  }
0x10: {  	[smem:$0x3FB4] =	sst s8  }
0x11: {  	[smem:$0x3FB5] =	sst s9;
	s0 =	simm.s32 @!p0 $0x0  }
0x12: {  	s1 =	sld [smem:$0x3F9B];
	s0 =	simm.s32 @p0 $0x1  }
0x13: {  	[smem:$0x3FB6] =	sst s0;
	s0 =	simm.s32 @!p1 $0x0  }
0x14: {  	s2 =	sld [smem:$0x3F9A];
	s0 =	simm.s32 @p1 $0x1  }
0x15: {  	[smem:$0x3FB7] =	sst s0;
	s0 =	simm.s32 @!p2 $0x0  }
0x16: {  	s3 =	sld [smem:$0x3FDB];
	s0 =	simm.s32 @p2 $0x1  }
0x17: {  	s4 =	simm.s32 $0x1BF5;
	[smem:$0x3FB9] =	sst s0  }
0x18: {  	s0 =	sld [smem:$0x3F9C];
	_ =	swait.ge [sflag:s4], $0x0  }
0x19: {  	s7 =	sld [smem:$0x3F9D]  }
0x1a: {  	s8 =	sadd.s32 $0xFFFFE003, lr  }
0x1b: {  	s9 =	sadd.s32 $0xFFFFFEF7, lr;
	s5 =	simm.s32 $0xFFFFFFFF;
	p2 =	slt.u32 s8, $0xFFFFF086  }
0x1c: {  	p1 =	slt.u32 s9, $0xF7A;
	s5 =	simm.s32 @!p2 $0x0  }
0x1d: {  	s5 =	simm.s32 @p1 $0x1;
	p0 =	seq.s32 s7, s2  }
0x1e: {  	s7 =	smul.u32 @!p0 $0xF7A, s2;
	p2 =	seq.s32 @!p0 s5, $0x0  }
0x1f: {  	s9 =	smul.u32 $0xF7A, s1;
	s8 =	simm.s32 @!p0 $0x1BF5;
	p2 =	por !p2, p0  }
0x20: {  	[sflag:s8] =	ssyncset.s32 @!p0 $0xFFFFF086;
	s6 =	sadd.s32 @!p0 s3, s7;
	s7 =	simm.s32 @!p0 $0x108  }
0x21: {  	s3 =	sadd.s32 s3, s9;
	s6 =	sadd.s32 @!p0 $0x88, s6;
	s7 =	simm.s32 @p2 $0x1082  }
0x22: {  	[simem:s7], [sflag:s8] =	dma.local @!p0 [hbm:s6], $0xF7A  }
0x23: {  	s9 =	sor.u32 $0xD0000000, s2;
	s6 =	simm.s32 $0x108;
	_ =	swait.ge @!p0 [sflag:s8], $0x0  }
0x24: {  	s3 =	sadd.s32 $0x88, s3;
	s6 =	simm.s32 @!p1 $0x1082;
	[sflag:s4] =	ssyncset.s32 $0xFFFFF086  }
0x25: {  	[simem:s6], [sflag:s4] =	dma.local [hbm:s3], $0xF7A  }
0x26: {  	[smem:$0x3F9D] =	sst s1;
	(tag) =	ssettag s2;
	_ =	strace s9  }
0x27: {  	s1 =	sld [smem:$0x3FAD]  }
0x28: {  	s2 =	sld [smem:$0x3FAE]  }
0x29: {  	s4 =	sld [smem:$0x3FB0]  }
0x2a: {  	p0 =	seq.s32 s5, $0x0;
	s5 =	sld [smem:$0x3FB1]  }
0x2b: {  	s6 =	sld [smem:$0x3FB2]  }
0x2c: {  	s7 =	sld [smem:$0x3FB3]  }
0x2d: {  	s3 =	simm.s32 $0x108;
	s8 =	sld [smem:$0x3FB4]  }
0x2e: {  	s3 =	simm.s32 @!p0 $0x1082;
	s9 =	sld [smem:$0x3FB5]  }
0x2f: {  	lr =	sadd.s32 s0, s3;
	s0 =	sld [smem:$0x3FAC]  }
0x30: {  	s3 =	sld [smem:$0x3FAF]  }
0x31: {  	[smem:$0x3FB8] =	sst s10  }
0x32: {  	s10 =	sld [smem:$0x3FB6];
	_ =	sdelay $0x3  }
0x33: {  	p0 =	seq.s32 s10, $0x1;
	s10 =	sld [smem:$0x3FB8];
	_ =	sdelay $0x3  }
0x34: {  	[smem:$0x3FB8] =	sst s10  }
0x35: {  	s10 =	sld [smem:$0x3FB7];
	_ =	sdelay $0x3  }
0x36: {  	p1 =	seq.s32 s10, $0x1;
	s10 =	sld [smem:$0x3FB8];
	_ =	sdelay $0x3  }
0x37: {  	[smem:$0x3FB8] =	sst s10  }
0x38: {  	s10 =	sld [smem:$0x3FB9]  }
0x39: {  	_ = 	snop;
	(pc) =	sbr.ind lr, $3  }
0x3a: {  	_ = 	snop  }
0x3b: {  	_ = 	snop  }
0x3c: {  	p2 =	seq.s32 s10, $0x1;
	s10 =	sld [smem:$0x3FB8]  }
0x3d: {  	_ =	shalt  }
0x3e: {  	_ =	shalt  }
0x3f: {  	_ =	shalt  }
0x40: {  	_ =	shalt  }
0x41: {  	_ =	shalt  }
0x42: {  	_ =	shalt  }
0x43: {  	_ =	shalt  }
0x44: {  	_ =	shalt  }
0x45: {  	_ =	shalt  }
0x46: {  	_ =	shalt  }
0x47: {  	_ =	shalt  }
0x48: {  	_ =	shalt  }
0x49: {  	_ =	shalt  }
0x4a: {  	_ =	shalt  }
0x4b: {  	_ =	shalt  }
0x4c: {  	_ =	shalt  }
0x4d: {  	_ =	shalt  }
0x4e: {  	_ =	shalt  }
0x4f: {  	_ =	shalt  }
0x50: {  	_ =	shalt  }
0x51: {  	_ =	shalt  }
0x52: {  	_ =	shalt  }
0x53: {  	_ =	shalt  }
0x54: {  	_ =	shalt  }
0x55: {  	_ =	shalt  }
0x56: {  	_ =	shalt  }
0x57: {  	_ =	shalt  }
0x58: {  	_ =	shalt  }
0x59: {  	_ =	shalt  }
0x5a: {  	_ =	shalt  }
0x5b: {  	_ =	shalt  }
0x5c: {  	_ =	shalt  }
0x5d: {  	_ =	shalt  }
0x5e: {  	_ =	shalt  }
0x5f: {  	_ =	shalt  }
0x60: {  	_ =	shalt  }
0x61: {  	_ =	shalt  }
0x62: {  	_ =	shalt  }
0x63: {  	_ =	shalt  }
0x64: {  	_ =	shalt  }
0x65: {  	_ =	shalt  }
0x66: {  	_ =	shalt  }
0x67: {  	_ =	shalt  }
0x68: {  	_ =	shalt  }
0x69: {  	_ =	shalt  }
0x6a: {  	_ =	shalt  }
0x6b: {  	_ =	shalt  }
0x6c: {  	_ =	shalt  }
0x6d: {  	_ =	shalt  }
0x6e: {  	_ =	shalt  }
0x6f: {  	_ =	shalt  }
0x70: {  	_ =	shalt  }
0x71: {  	_ =	shalt  }
0x72: {  	_ =	shalt  }
0x73: {  	_ =	shalt  }
0x74: {  	_ =	shalt  }
0x75: {  	_ =	shalt  }
0x76: {  	_ =	shalt  }
0x77: {  	_ =	shalt  }
0x78: {  	_ =	shalt  }
0x79: {  	_ =	shalt  }
0x7a: {  	_ =	shalt  }
0x7b: {  	_ =	shalt  }
0x7c: {  	_ =	shalt  }
0x7d: {  	_ =	shalt  }
0x7e: {  	_ =	shalt  }
0x7f: {  	_ =	shalt  }
0x80: {  	_ =	shalt  }
0x81: {  	_ =	shalt  }
0x82: {  	_ =	shalt  }
0x83: {  	_ =	shalt  }
0x84: {  	_ =	shalt  }
0x85: {  	_ =	shalt  }
0x86: {  	_ =	shalt  }
0x87: {  	_ =	shalt  }
.Lfunc_end0:
.L_simem_size_0:
called_computation_lowered:
.L_overlay_start_0:
0x88: {  	s2 =	sld [smem:$0x3FD9]  }
0x89: {  	s3 =	sld [smem:$0x3FFE];
	_ =	sdelay $0x1  }
0x8a: {  	s1 =	srdreg.scid  }
0x8b: {  	s0 =	sand.u32 $0x1, s1  }
0x8c: {  	s14 =	sshll.u32 s0, $0xA;
	s2 =	sadd.s32 s3, s2  }
0x8d: {  	s2 =	sadd.s32 s2, s14  }
0x8e: {  	[smem:$0x3FC4] =	sst s2  }
0x8f: {  	_ = 	snop  }
0x90: {  	s2 =	sld [smem:$0x3FD0];
	_ =	sdelay $0x2  }
0x91: {  	s4 =	simm.s32 $0xA;
	s5 =	simm.s32 $0x10;
	s15 =	sld [smem:$0x3FC8]  }
0x92: {  	[smem:s5], [sflag:s4] =	dma.local [hbm:s2], $0x1  }
0x93: {  	_ =	swait.eq [sflag:s4], $0x1  }
0x94: {  	[sflag:s4] =	ssyncset.done $0x0  }
0x95: {  	s16 =	sld [smem:$0x10];
	[sflag:s4] =	ssyncadd.s32 $0xFFFFFFFF  }
0x96: {  	s17 =	sld [smem:$0x11];
	(tm) =	ssettm $0x1  }
0x97: {  	s18 =	sld [smem:$0x3FFB];
	_ =	sdelay $0x3  }
0x98: {  	_ =	strace s18  }
0x99: {  	s5 =	sld [smem:$0x3FFC];
	_ =	sdelay $0x3  }
0x9a: {  	_ =	strace s5  }
0x9b: {  	s5 =	sld [smem:$0x3FFD];
	_ =	sdelay $0x3  }
0x9c: {  	_ =	strace s5  }
0x9d: {  	_ =	strace $0x8FFFFFFF  }
0x9e: {  	s19 =	sld [smem:$0x3FDB];
	_ =	sdelay $0x1  }
0x9f: {  	s6 =	simm.s32 $_scs_section_size  }
0xa0: {  	s7 =	simm.s32 $_size__tile_overlayer_lowered;
	s8 =	simm.s32 $_tile_overlayer_lowered  }
0xa1: {  	s22 =	simm.s32 $0x1BFF;
	s21 =	sshll.u32 s8, $0x1;
	s5 =	sadd.s32 s6, s19  }
0xa2: {  	s9 =	simm.s32 $0x0;
	s20 =	sshll.u32 s7, $0x1;
	s7 =	sadd.s32 s21, s5  }
0xa3: {  	[timem:s9], [sflag:s22] =	dma.local [hbm:s7], s20  }
0xa4: {  	_ =	swait.ge [sflag:s22], s20  }
0xa5: {  	s6 =	ssub.s32 $0x0, s20;
	[sflag:s22] =	ssyncset.done $0x0  }
0xa6: {  	[sflag:s22] =	ssyncadd.s32 s6;
	_ =	sdelay $0x1  }
0xa7: {  	s23 =	simm.s32 $0x1B8B  }
0xa8: {  	_ =	swait.ge [sflag:s23], $0x1  }
0xa9: {  	[sflag:s23] =	ssyncset.done $0x0  }
0xaa: {  	s25 =	simm.s32 $0x1B8E;
	s24 =	sld [smem:$0x3FFE];
	[sflag:s23] =	ssyncadd.s32 $0xFFFFFFFF  }
0xab: {  	s26 =	simm.s32 $execute0_lowered;
	[smem:$0x3FD2] =	sst s25  }
0xac: {  	s7 =	sshll.u32 s26, $0x1;
	_ =	strace $0x80000046;
	[dreg:$0x1] =	wrdreg $0xFFFFFFFF  }
0xad: {  	s28 =	simm.s32 $_size_execute0_lowered;
	s5 =	sadd.s32 s5, s7;
	[dreg:$0x0] =	wrdreg $0x0  }
0xae: {  	s7 =	sshll.u32 s28, $0x1;
	[dreg:$0x2] =	wrdreg s5  }
0xaf: {  	[dreg:$0x3] =	wrdreg s7  }
0xb0: {  	[dreg:$0x4] =	wrdreg $0xC0  }
0xb1: {  	_ =	task [dreg:s9], $0x5FFFF  }
0xb2: {  	[dreg:$0x1] =	wrdreg $0xFFFFFFFF  }
0xb3: {  	[dreg:$0x0] =	wrdreg $0x60  }
0xb4: {  	[dreg:$0x2] =	wrdreg s24  }
0xb5: {  	[dreg:$0x3] =	wrdreg s15  }
0xb6: {  	[dreg:$0x4] =	wrdreg s16  }
0xb7: {  	[dreg:$0x5] =	wrdreg s17  }
0xb8: {  	[dreg:$0x6] =	wrdreg $0x9  }
0xb9: {  	_ =	task.clear_ibuf [dreg:s9], $0x7FFFF;
	_ =	strace $0x90000046  }
0xba: {  	s29 =	simm.s32 $0x9;
	_ =	strace $0x80000048  }
0xbb: {  	_ =	swait.ge [sflag:s29], $0x1  }
0xbc: {  	[sflag:s29] =	ssyncadd.s32 $0xFFFFFFFF  }
0xbd: {  	_ =	strace $0x90000048  }
0xbe: {  	_ =	sfence  }
0xbf: {  	s30 =	sld [smem:$0x0];
	_ =	sdelay $0x2  }
0xc0: {  	s31 =	sshll.u32 s1, $0xD;
	s1 =	sshrl.u32 s1, $0x2  }
0xc1: {  	s3 =	sand.u32 $0x4000, s31;
	s1 =	sadd.s32 s1, s30  }
0xc2: {  	s0 =	sor.u32 s3, s0;
	s1 =	sshll.u32 s1, $0x11  }
0xc3: {  	s0 =	sor.u32 s1, s0  }
0xc4: {  	s0 =	sadd.s32 $0x8F2B, s0  }
0xc5: {  	[sflag:s0] =	ssyncadd.remote.s32 $0x1  }
0xc6: {  	_ =	sfence.sel $0xFFFF  }
0xc7: {  	[dreg:$0x0] =	wrdreg $0xFFFFFFFF;
	(pc) =	sbr.abs _section_cstart, $3  }
0xc8: {  	[dreg:$0x1] =	wrdreg $0xFFFFFFFF  }
0xc9: {  	_ =	task.clear_ibuf [dreg:s9], $0x2FFFF;
	_ =	strace $0x9FFFFFFF  }
0xca: {  	(tm) =	ssettm $0x7FFFFFFF  }
0xcb: {  	_ =	shalt  }
tec
execute0_lowered:
.L_overlay_start_1:
0x0: {  	(tag) =	ssettag $0x1  }
0x1: {  	s0 =	rddreg [dreg:$0x0]  }
0x2: {  	s1 =	rddreg [dreg:$0x1]  }
0x3: {  	s3 =	rddreg [dreg:$0x2]  }
0x4: {  	s4 =	rddreg [dreg:$0x3];
	s2 =	simm.s32 $0x0  }
0x5: {  	s6 =	srdreg.scid;
	s8 =	stileid.u32;
	s29 =	simm.s32 $0x5800  }
0x6: {  	[smem:$0x7FF] =	sst s2;
	s6 =	sand.u32 $0x1, s6;
	s8 =	sshll.u32 s8, $0x1  }
0x7: {  	s5 =	sadd.s32 $0x10A00, s0;
	s9 =	ssub.s32 $0x2, s6;
	s6 =	sor.u32 s6, s8  }
0x8: {  	s7 =	sadd.s32 $0x8A00, s0;
	s10 =	sshll.u32 s6, $0xD;
	s6 =	sshll.u32 s6, $0xA  }
0x9: {  	s0 =	sadd.s32 $0xA00, s0;
	_ =	strace $0x80000047;
	s18 =	sadd.s32 s5, s6  }
0xa: {  	s17 =	sshrl.u32 s9, $0x1;
	s11 =	sadd.s32 s7, s6;
	[dreg:$0x5] =	wrdreg s18  }
0xb: {  	s8 =	ssub.s32 s9, s17;
	s6 =	sadd.s32 s0, s6;
	[dreg:$0x6] =	wrdreg s11  }
0xc: {  	s19 =	sor.u32 $0x800, s10;
	s21 =	sadd.s32 s4, s10;
	[dreg:$0x7] =	wrdreg s6  }
0xd: {  	s24 =	sadd.s32 s3, s10;
	s25 =	sor.u32 $0x1000, s10;
	[dreg:$0x8] =	wrdreg s21  }
0xe: {  	s10 =	sor.u32 $0x1800, s10;
	s20 =	sshrl.u32 s19, $0x3;
	[dreg:$0xc] =	wrdreg s24  }
0xf: {  	s26 =	sadd.s32 s4, s19;
	s28 =	sshrl.u32 s25, $0x3;
	s31 =	sshrl.u32 s10, $0x3  }
0x10: {  	s9 =	sadd.s32 s3, s19;
	s21 =	sadd.s32 s3, s25;
	s24 =	smax.u32 s8, $0x1  }
0x11: {  	s22 =	sadd.s32 s5, s20;
	s23 =	sadd.s32 s7, s20;
	[dreg:$0xd] =	wrdreg s26  }
0x12: {  	s6 =	sadd.s32 s0, s20;
	s12 =	sadd.s32 s5, s28;
	[dreg:$0x11] =	wrdreg s9  }
0x13: {  	s30 =	sadd.s32 s7, s28;
	s11 =	sadd.s32 s0, s28;
	[dreg:$0x9] =	wrdreg s22  }
0x14: {  	s17 =	sadd.s32 s5, s31;
	s18 =	sadd.s32 s7, s31;
	[dreg:$0xa] =	wrdreg s23  }
0x15: {  	s19 =	sadd.s32 s0, s31;
	s20 =	sadd.s32 s4, s25;
	[dreg:$0xb] =	wrdreg s6  }
0x16: {  	s25 =	simm.s32 $0x3;
	s26 =	simm.s32 $0x4000;
	[dreg:$0xe] =	wrdreg s12  }
0x17: {  	s0 =	simm.s32 $0x11800;
	s5 =	simm.s32 $0x2;
	[dreg:$0xf] =	wrdreg s30  }
0x18: {  	[dreg:$0x10] =	wrdreg s11;
	s22 =	sadd.s32 s4, s10;
	s23 =	sadd.s32 s3, s10  }
0x19: {  	s3 =	simm.s32 $0x1;
	s4 =	simm.s32 $0x15800;
	s6 =	simm.s32 $0x0  }
.LBB2_1:
0x1a: {  	s7 =	rddreg [dreg:$0x5]  }
0x1b: {  	[tilespmem:s2], [sflag:$0x3] =	stream.linear.gather [hbm4b:s7+s2], $0x800, $0x38;
	[tilespmem:$0x19800] =	vst v63  }
0x1c: {  	_ =	swait.ge [sflag:s25], $0x800  }
0x1d: {  	[sflag:s25] =	ssyncset.done $0x0  }
0x1e: {  	s9 =	simm.s32 $0x800;
	s16 =	rddreg [dreg:$0x6];
	[sflag:s25] =	ssyncadd.s32 $0xFFFFF800  }
0x1f: {  	[tilespmem:s9], [sflag:$0x3] =	stream.linear.gather [hbm4b:s16+s2], $0x800, $0x38;
	[tilespmem:$0x19800] =	vst v63  }
0x20: {  	_ =	swait.ge [sflag:s25], $0x800  }
0x21: {  	[sflag:s25] =	ssyncset.done $0x0  }
0x22: {  	s11 =	simm.s32 $0x1000;
	s30 =	rddreg [dreg:$0x7];
	[sflag:s25] =	ssyncadd.s32 $0xFFFFF800  }
0x23: {  	[tilespmem:s11], [sflag:$0x3] =	stream.linear.gather [hbm4b:s30+s2], $0x800, $0x38;
	[tilespmem:$0x19800] =	vst v63  }
0x24: {  	_ =	swait.ge [sflag:s25], $0x800  }
0x25: {  	[sflag:s25] =	ssyncset.done $0x0  }
0x26: {  	s31 =	sand.u32 $0x7, s2;
	s8 =	sand.u32 $0x3C00, s2;
	[sflag:s25] =	ssyncadd.s32 $0xFFFFF800  }
0x27: {  	s10 =	simm.s32 $0x10;
	s12 =	simm.s32 $0x1010;
	s13 =	simm.s32 $0x0;
	v2 =	vld [tilespmem:s9+$0x0]  }
0x28: {  	s28 =	simm.s32 $0x0;
	s14 =	simm.s32 $0x0;
	s7 =	sshll.u32 s31, $0x4;
	v0 =	vld [tilespmem:s11+$0x0]  }
0x29: {  	s7 =	sadd.s32 $0x0, s7;
	s11 =	simm.s32 $0x810;
	v1 =	vld [tilespmem:s2+$0x0];
	s9 =	simm.s32 $0x0  }
.LBB2_2:
0x2a: {  	s13 =	sadd.s32 $0x80, s13  }
0x2b: {  	s28 =	sadd.s32 $0x1, s28;
	s14 =	sadd.s32 $0x10, s14;
	s15 =	smov.u32 s10  }
0x2c: {  	p0 =	sne.s32 s10, $0x7F0;
	s10 =	sadd.s32 $0x10, s10;
	s31 =	sand.u32 $0x3C00, s13  }
0x2d: {  	s30 =	sand.u32 $0x7, s28;
	v2 =	vmax.f32 v2, $0.0e+00  }
0x2e: {  	s30 =	sshll.u32 s30, $0x4;
	v2 =	vmin.f32 v2, $1.270000000e+02;
	v0 =	vmax.f32 v0, $0.0e+00  }
0x2f: {  	s30 =	sadd.s32 s30, s13;
	v1 =	vmax.f32 v1, $0.0e+00;
	v3 =	vtrunc.f32 v2;
	v0 =	vmin.f32 v0, $1.270000000e+02  }
0x30: {  	v1 =	vmin.f32 v1, $1.270000000e+02;
	v3 =	vcvt.f32.s32 v3;
	v4 =	vtrunc.f32 v0  }
0x31: {  	v5 =	vtrunc.f32 v1;
	v4 =	vcvt.f32.s32 v4  }
0x32: {  	v5 =	vcvt.f32.s32 v5;
	vm0 =	vlt.s32 v3, $0x7E  }
0x33: {  	v3 =	vnsel vm0, $0x7E, v3;
	vm0 =	vlt.s32 v4, $0x7E  }
0x34: {  	vm1 =	vlt.s32 v5, $0x7E;
	v4 =	vnsel vm0, $0x7E, v4;
	v6 =	vshll.u32 v3, $0x7  }
0x35: {  	v3 =	vcvt.s32.f32 v3;
	v5 =	vnsel vm1, $0x7E, v5;
	v7 =	vcvt.s32.f32 v4  }
0x36: {  	s16 =	sand.u32 $0x70, s9;
	s9 =	smov.u32 s15;
	v4 =	vshll.u32 v4, $0xE;
	v8 =	vcvt.s32.f32 v5;
	v5 =	vadd.s32 v5, v6  }
0x37: {  	s15 =	sor.u32 s16, s8;
	s8 =	smov.u32 s31;
	v2 =	vsub.f32 v2, v3;
	v0 =	vsub.f32 v0, v7;
	v3 =	vadd.s32 v4, v5  }
0x38: {  	v1 =	vsub.f32 v1, v8;
	[tilespmem:s15+$0x1800] =	vst v3;
	v4 =	vadd.s32 $0x1, v3;
	v5 =	vadd.s32 $0x80, v3  }
0x39: {  	v6 =	vsub.f32 $1.000000000e+00, v2;
	v7 =	vsub.f32 $1.000000000e+00, v0;
	v8 =	vmul.f32 v0, v2;
	[tilespmem:s15+$0x1880] =	vst v4  }
0x3a: {  	v9 =	vadd.s32 $0x4001, v3;
	v4 =	vadd.s32 $0x81, v3;
	[tilespmem:s15+$0x1900] =	vst v5;
	v5 =	vadd.s32 $0x4000, v3  }
0x3b: {  	v10 =	vsub.f32 $1.000000000e+00, v1;
	v0 =	vmul.f32 v6, v0;
	v11 =	vmul.f32 v7, v6;
	[tilespmem:s15+$0x1A00] =	vst v5  }
0x3c: {  	v2 =	vmul.f32 v7, v2;
	v5 =	vmul.f32 v8, v1;
	[tilespmem:s15+$0x1980] =	vst v4;
	v4 =	vadd.s32 $0x4080, v3  }
0x3d: {  	v7 =	vmul.f32 v0, v10;
	v6 =	vmul.f32 v11, v10;
	[tilespmem:s15+$0x1B00] =	vst v4  }
0x3e: {  	v4 =	vmul.f32 v2, v10;
	v2 =	vmul.f32 v2, v1;
	[tilespmem:s15+$0x1A80] =	vst v9  }
0x3f: {  	v0 =	vmul.f32 v0, v1;
	v9 =	vmul.f32 v11, v1;
	[tilespmem:s15+$0x9800] =	vst v6  }
0x40: {  	v1 =	vmul.f32 v8, v10;
	[tilespmem:s15+$0x9980] =	vst v2  }
0x41: {  	[tilespmem:s15+$0x9880] =	vst v9  }
0x42: {  	[tilespmem:s15+$0x9A00] =	vst v7  }
0x43: {  	[tilespmem:s15+$0x9A80] =	vst v0  }
0x44: {  	[tilespmem:s15+$0x9B00] =	vst v1  }
0x45: {  	v0 =	vadd.s32 $0x4081, v3;
	[tilespmem:s15+$0x9900] =	vst v4;
	s15 =	sor.u32 $0x380, s7;
	s7 =	smov.u32 s30  }
.Ltmp0:
0x46: {  	[tilespmem:s15+$0x1800] =	vst v0;
	(pc) =	sbr.rel @p0 .LBB2_2-.Ltmp0, $4  }
0x47: {  	[tilespmem:s15+$0x9800] =	vst v5  }
0x48: {  	v2 =	vld [tilespmem:s11+$0x0]  }
0x49: {  	v0 =	vld [tilespmem:s12+$0x0]  }
0x4a: {  	s11 =	sadd.s32 $0x10, s11;
	s12 =	sadd.s32 $0x10, s12;
	v1 =	vld [tilespmem:s14+$0x0]  }
0x4b: {  	_ =	sdelay $0x1  }
0x4c: {  	v2 =	vmax.f32 v2, $0.0e+00  }
0x4d: {  	v2 =	vmin.f32 v2, $1.270000000e+02;
	v0 =	vmax.f32 v0, $0.0e+00  }
0x4e: {  	v1 =	vmax.f32 v1, $0.0e+00;
	v3 =	vtrunc.f32 v2;
	v0 =	vmin.f32 v0, $1.270000000e+02  }
0x4f: {  	v1 =	vmin.f32 v1, $1.270000000e+02;
	v3 =	vcvt.f32.s32 v3;
	v4 =	vtrunc.f32 v0  }
0x50: {  	v5 =	vtrunc.f32 v1;
	v4 =	vcvt.f32.s32 v4  }
0x51: {  	v5 =	vcvt.f32.s32 v5;
	vm0 =	vlt.s32 v3, $0x7E  }
0x52: {  	v3 =	vnsel vm0, $0x7E, v3;
	vm15 =	vlt.s32 v4, $0x7E  }
0x53: {  	vm1 =	vlt.s32 v5, $0x7E;
	v4 =	vnsel vm15, $0x7E, v4;
	v6 =	vshll.u32 v3, $0x7  }
0x54: {  	v3 =	vcvt.s32.f32 v3;
	v5 =	vnsel vm1, $0x7E, v5;
	v7 =	vcvt.s32.f32 v4  }
0x55: {  	s9 =	sand.u32 $0x70, s9;
	v4 =	vshll.u32 v4, $0xE;
	v8 =	vcvt.s32.f32 v5;
	v5 =	vadd.s32 v5, v6  }
0x56: {  	s8 =	sor.u32 s9, s8;
	v2 =	vsub.f32 v2, v3;
	v3 =	vadd.s32 v4, v5  }
0x57: {  	v0 =	vsub.f32 v0, v7;
	[tilespmem:s8+$0x1800] =	vst v3;
	v4 =	vadd.s32 $0x1, v3  }
0x58: {  	v1 =	vsub.f32 v1, v8;
	v5 =	vadd.s32 $0x80, v3;
	v54 =	vsub.f32 $1.000000000e+00, v2;
	[tilespmem:s8+$0x1880] =	vst v4  }
0x59: {  	v55 =	vadd.s32 $0x4000, v3;
	v56 =	vadd.s32 $0x81, v3;
	[tilespmem:s8+$0x1900] =	vst v5  }
0x5a: {  	v7 =	vsub.f32 $1.000000000e+00, v0;
	[tilespmem:s8+$0x1A00] =	vst v55;
	v8 =	vsub.f32 $1.000000000e+00, v1;
	v60 =	vmul.f32 v54, v0  }
0x5b: {  	v58 =	vadd.s32 $0x4080, v3;
	[tilespmem:s8+$0x1980] =	vst v56;
	v0 =	vmul.f32 v0, v2  }
0x5c: {  	v59 =	vadd.s32 $0x4001, v3;
	[tilespmem:s8+$0x1B00] =	vst v58;
	v57 =	vmul.f32 v7, v2;
	v2 =	vmul.f32 v60, v8  }
0x5d: {  	[tilespmem:s8+$0x1A80] =	vst v59;
	v9 =	vmul.f32 v7, v54;
	v5 =	vmul.f32 v60, v1  }
0x5e: {  	v63 =	vmul.f32 v0, v8;
	[tilespmem:s8+$0x9A00] =	vst v2  }
0x5f: {  	v10 =	vmul.f32 v9, v8;
	[tilespmem:s8+$0x9A80] =	vst v5  }
0x60: {  	v61 =	vmul.f32 v57, v1;
	[tilespmem:s8+$0x9B00] =	vst v63  }
0x61: {  	v62 =	vmul.f32 v9, v1;
	[tilespmem:s8+$0x9800] =	vst v10  }
0x62: {  	v2 =	vmul.f32 v57, v8;
	[tilespmem:s8+$0x9980] =	vst v61  }
0x63: {  	[tilespmem:s8+$0x9880] =	vst v62  }
0x64: {  	s7 =	sor.u32 $0x380, s7;
	v0 =	vmul.f32 v0, v1;
	v1 =	vadd.s32 $0x4081, v3;
	[tilespmem:s8+$0x9900] =	vst v2  }
0x65: {  	[tilespmem:s7+$0x1800] =	vst v1  }
0x66: {  	s12 =	simm.s32 $0x1800;
	[tilespmem:s7+$0x9800] =	vst v0  }
0x67: {  	[tilespmem:s29], [sflag:$0x1] =	stream.indirect.gather [hbm4b:s1+s26], $0x1, s12, s26, $0xb8;
	[tilespmem:$0x19800] =	vst v63  }
0x68: {  	s13 =	rddreg [dreg:$0x8];
	s14 =	simm.s32 $0x9800;
	s9 =	simm.s32 $0x0  }
0x69: {  	[hbm4b:s13+s9] =	stream.linear.scatter [tilespmem:s14], [sflag:$0x3], $0x4000, $0x38;
	[tilespmem:$0x19800] =	vst v63  }
0x6a: {  	_ =	swait.ge [sflag:s25], $0x4000  }
0x6b: {  	[sflag:s25] =	ssyncset.done $0x0  }
0x6c: {  	s15 =	rddreg [dreg:$0x9];
	[sflag:s25] =	ssyncadd.s32 $0xFFFFC000  }
0x6d: {  	[tilespmem:s9], [sflag:$0x3] =	stream.linear.gather [hbm4b:s15+s9], $0x800, $0x38;
	[tilespmem:$0x19800] =	vst v63  }
0x6e: {  	_ =	swait.ge [sflag:s25], $0x800  }
0x6f: {  	[sflag:s25] =	ssyncset.done $0x0  }
0x70: {  	s16 =	simm.s32 $0x800;
	s30 =	rddreg [dreg:$0xa];
	[sflag:s25] =	ssyncadd.s32 $0xFFFFF800  }
0x71: {  	[tilespmem:s16], [sflag:$0x3] =	stream.linear.gather [hbm4b:s30+s9], $0x800, $0x38;
	[tilespmem:$0x19800] =	vst v63  }
0x72: {  	_ =	swait.ge [sflag:s25], $0x800  }
0x73: {  	[sflag:s25] =	ssyncset.done $0x0  }
0x74: {  	s10 =	simm.s32 $0x1000;
	s31 =	rddreg [dreg:$0xb];
	[sflag:s25] =	ssyncadd.s32 $0xFFFFF800  }
0x75: {  	[tilespmem:s10], [sflag:$0x3] =	stream.linear.gather [hbm4b:s31+s9], $0x800, $0x38;
	[tilespmem:$0x19800] =	vst v63  }
0x76: {  	_ =	swait.ge [sflag:s25], $0x800  }
0x77: {  	[sflag:s25] =	ssyncset.done $0x0  }
0x78: {  	s12 =	sand.u32 $0x7, s9;
	[sflag:s25] =	ssyncadd.s32 $0xFFFFF800  }
0x79: {  	s11 =	simm.s32 $0x10;
	s28 =	simm.s32 $0x0;
	s12 =	sshll.u32 s12, $0x4;
	v2 =	vld [tilespmem:s16+$0x0]  }
0x7a: {  	s8 =	sand.u32 $0x3C00, s9;
	s7 =	sadd.s32 $0x0, s12;
	s12 =	simm.s32 $0x810;
	v0 =	vld [tilespmem:s10+$0x0]  }
0x7b: {  	s13 =	simm.s32 $0x1010;
	s14 =	simm.s32 $0x0;
	v1 =	vld [tilespmem:s9+$0x0];
	s10 =	simm.s32 $0x0  }
.LBB2_4:
0x7c: {  	s9 =	sadd.s32 $0x80, s9  }
0x7d: {  	s28 =	sadd.s32 $0x1, s28;
	s14 =	sadd.s32 $0x10, s14;
	s15 =	smov.u32 s11  }
0x7e: {  	p0 =	sne.s32 s11, $0x7F0;
	s11 =	sadd.s32 $0x10, s11;
	s16 =	sand.u32 $0x3C00, s9  }
0x7f: {  	s30 =	sand.u32 $0x7, s28;
	v2 =	vmax.f32 v2, $0.0e+00  }
0x80: {  	s30 =	sshll.u32 s30, $0x4;
	v2 =	vmin.f32 v2, $1.270000000e+02;
	v0 =	vmax.f32 v0, $0.0e+00  }
0x81: {  	s30 =	sadd.s32 s30, s9;
	v1 =	vmax.f32 v1, $0.0e+00;
	v3 =	vtrunc.f32 v2;
	v0 =	vmin.f32 v0, $1.270000000e+02  }
0x82: {  	v1 =	vmin.f32 v1, $1.270000000e+02;
	v3 =	vcvt.f32.s32 v3;
	v4 =	vtrunc.f32 v0  }
0x83: {  	v5 =	vtrunc.f32 v1;
	v4 =	vcvt.f32.s32 v4  }
0x84: {  	v5 =	vcvt.f32.s32 v5;
	vm0 =	vlt.s32 v3, $0x7E  }
0x85: {  	v3 =	vnsel vm0, $0x7E, v3;
	vm0 =	vlt.s32 v4, $0x7E  }
0x86: {  	vm1 =	vlt.s32 v5, $0x7E;
	v4 =	vnsel vm0, $0x7E, v4;
	v6 =	vshll.u32 v3, $0x7  }
0x87: {  	v3 =	vcvt.s32.f32 v3;
	v5 =	vnsel vm1, $0x7E, v5;
	v7 =	vcvt.s32.f32 v4  }
0x88: {  	s31 =	sand.u32 $0x70, s10;
	s10 =	smov.u32 s15;
	v4 =	vshll.u32 v4, $0xE;
	v8 =	vcvt.s32.f32 v5;
	v5 =	vadd.s32 v5, v6  }
0x89: {  	s15 =	sor.u32 s31, s8;
	s8 =	smov.u32 s16;
	v2 =	vsub.f32 v2, v3;
	v0 =	vsub.f32 v0, v7;
	v3 =	vadd.s32 v4, v5  }
0x8a: {  	v1 =	vsub.f32 v1, v8;
	[tilespmem:s15+$0xD800] =	vst v3;
	v4 =	vadd.s32 $0x1, v3;
	v5 =	vadd.s32 $0x80, v3  }
0x8b: {  	v6 =	vsub.f32 $1.000000000e+00, v2;
	v7 =	vsub.f32 $1.000000000e+00, v0;
	v8 =	vmul.f32 v0, v2;
	[tilespmem:s15+$0xD880] =	vst v4  }
0x8c: {  	v9 =	vadd.s32 $0x4001, v3;
	v4 =	vadd.s32 $0x81, v3;
	[tilespmem:s15+$0xD900] =	vst v5;
	v5 =	vadd.s32 $0x4000, v3  }
0x8d: {  	v10 =	vsub.f32 $1.000000000e+00, v1;
	v0 =	vmul.f32 v6, v0;
	v11 =	vmul.f32 v7, v6;
	[tilespmem:s15+$0xDA00] =	vst v5  }
0x8e: {  	v2 =	vmul.f32 v7, v2;
	v5 =	vmul.f32 v8, v1;
	[tilespmem:s15+$0xD980] =	vst v4;
	v4 =	vadd.s32 $0x4080, v3  }
0x8f: {  	v7 =	vmul.f32 v0, v10;
	v6 =	vmul.f32 v11, v10;
	[tilespmem:s15+$0xDB00] =	vst v4  }
0x90: {  	v4 =	vmul.f32 v2, v10;
	v2 =	vmul.f32 v2, v1;
	[tilespmem:s15+$0xDA80] =	vst v9  }
0x91: {  	v0 =	vmul.f32 v0, v1;
	v9 =	vmul.f32 v11, v1;
	[tilespmem:s15+$0x15800] =	vst v6  }
0x92: {  	v1 =	vmul.f32 v8, v10;
	[tilespmem:s15+$0x15980] =	vst v2  }
0x93: {  	[tilespmem:s15+$0x15880] =	vst v9  }
0x94: {  	[tilespmem:s15+$0x15A00] =	vst v7  }
0x95: {  	[tilespmem:s15+$0x15A80] =	vst v0  }
0x96: {  	[tilespmem:s15+$0x15B00] =	vst v1  }
0x97: {  	v0 =	vadd.s32 $0x4081, v3;
	[tilespmem:s15+$0x15900] =	vst v4;
	s15 =	sor.u32 $0x380, s7;
	s7 =	smov.u32 s30  }
.Ltmp1:
0x98: {  	[tilespmem:s15+$0xD800] =	vst v0;
	(pc) =	sbr.rel @p0 .LBB2_4-.Ltmp1, $4  }
0x99: {  	[tilespmem:s15+$0x15800] =	vst v5  }
0x9a: {  	v2 =	vld [tilespmem:s12+$0x0]  }
0x9b: {  	v0 =	vld [tilespmem:s13+$0x0]  }
0x9c: {  	s12 =	sadd.s32 $0x10, s12;
	s13 =	sadd.s32 $0x10, s13;
	v1 =	vld [tilespmem:s14+$0x0]  }
0x9d: {  	_ =	sdelay $0x1  }
0x9e: {  	v2 =	vmax.f32 v2, $0.0e+00  }
0x9f: {  	v2 =	vmin.f32 v2, $1.270000000e+02;
	v0 =	vmax.f32 v0, $0.0e+00  }
0xa0: {  	v1 =	vmax.f32 v1, $0.0e+00;
	v3 =	vtrunc.f32 v2;
	v0 =	vmin.f32 v0, $1.270000000e+02  }
0xa1: {  	v1 =	vmin.f32 v1, $1.270000000e+02;
	v3 =	vcvt.f32.s32 v3;
	v4 =	vtrunc.f32 v0  }
0xa2: {  	v5 =	vtrunc.f32 v1;
	v4 =	vcvt.f32.s32 v4  }
0xa3: {  	v5 =	vcvt.f32.s32 v5;
	vm0 =	vlt.s32 v3, $0x7E  }
0xa4: {  	v3 =	vnsel vm0, $0x7E, v3;
	vm15 =	vlt.s32 v4, $0x7E  }
0xa5: {  	vm1 =	vlt.s32 v5, $0x7E;
	v4 =	vnsel vm15, $0x7E, v4;
	v6 =	vshll.u32 v3, $0x7  }
0xa6: {  	v3 =	vcvt.s32.f32 v3;
	v5 =	vnsel vm1, $0x7E, v5;
	v7 =	vcvt.s32.f32 v4  }
0xa7: {  	s9 =	sand.u32 $0x70, s10;
	v4 =	vshll.u32 v4, $0xE;
	v8 =	vcvt.s32.f32 v5;
	v5 =	vadd.s32 v5, v6  }
0xa8: {  	s8 =	sor.u32 s9, s8;
	v2 =	vsub.f32 v2, v3;
	v3 =	vadd.s32 v4, v5  }
0xa9: {  	v0 =	vsub.f32 v0, v7;
	[tilespmem:s8+$0xD800] =	vst v3;
	v4 =	vadd.s32 $0x1, v3  }
0xaa: {  	v1 =	vsub.f32 v1, v8;
	v5 =	vadd.s32 $0x80, v3;
	v54 =	vsub.f32 $1.000000000e+00, v2;
	[tilespmem:s8+$0xD880] =	vst v4  }
0xab: {  	v55 =	vadd.s32 $0x4000, v3;
	v56 =	vadd.s32 $0x81, v3;
	[tilespmem:s8+$0xD900] =	vst v5  }
0xac: {  	v7 =	vsub.f32 $1.000000000e+00, v0;
	[tilespmem:s8+$0xDA00] =	vst v55;
	v8 =	vsub.f32 $1.000000000e+00, v1;
	v60 =	vmul.f32 v54, v0  }
0xad: {  	v58 =	vadd.s32 $0x4080, v3;
	[tilespmem:s8+$0xD980] =	vst v56;
	v0 =	vmul.f32 v0, v2  }
0xae: {  	v59 =	vadd.s32 $0x4001, v3;
	[tilespmem:s8+$0xDB00] =	vst v58;
	v57 =	vmul.f32 v7, v2;
	v2 =	vmul.f32 v60, v8  }
0xaf: {  	[tilespmem:s8+$0xDA80] =	vst v59;
	v9 =	vmul.f32 v7, v54;
	v5 =	vmul.f32 v60, v1  }
0xb0: {  	v63 =	vmul.f32 v0, v8;
	[tilespmem:s8+$0x15A00] =	vst v2  }
0xb1: {  	v10 =	vmul.f32 v9, v8;
	[tilespmem:s8+$0x15A80] =	vst v5  }
0xb2: {  	v61 =	vmul.f32 v57, v1;
	[tilespmem:s8+$0x15B00] =	vst v63  }
0xb3: {  	v62 =	vmul.f32 v9, v1;
	[tilespmem:s8+$0x15800] =	vst v10  }
0xb4: {  	v2 =	vmul.f32 v57, v8;
	[tilespmem:s8+$0x15980] =	vst v61  }
0xb5: {  	[tilespmem:s8+$0x15880] =	vst v62  }
0xb6: {  	s7 =	sor.u32 $0x380, s7;
	v0 =	vmul.f32 v0, v1;
	v1 =	vadd.s32 $0x4081, v3;
	[tilespmem:s8+$0x15900] =	vst v2  }
0xb7: {  	[tilespmem:s7+$0xD800] =	vst v1  }
0xb8: {  	s11 =	simm.s32 $0xD800;
	[tilespmem:s7+$0x15800] =	vst v0  }
0xb9: {  	[tilespmem:s0], [sflag:$0x2] =	stream.indirect.gather [hbm4b:s1+s26], $0x1, s11, s26, $0xb8;
	[tilespmem:$0x19800] =	vst v63  }
0xba: {  	_ =	swait.ge [sflag:s3], $0x4000  }
0xbb: {  	[sflag:s3] =	ssyncset.done $0x0  }
0xbc: {  	s9 =	simm.s32 $0x0;
	s12 =	rddreg [dreg:$0xc];
	[sflag:s3] =	ssyncadd.s32 $0xFFFFC000  }
0xbd: {  	[hbm4b:s12+s9] =	stream.linear.scatter [tilespmem:s29], [sflag:$0x3], $0x4000, $0x38;
	[tilespmem:$0x19800] =	vst v63  }
0xbe: {  	_ =	swait.ge [sflag:s25], $0x4000  }
0xbf: {  	[sflag:s25] =	ssyncset.done $0x0  }
0xc0: {  	s13 =	rddreg [dreg:$0xd];
	[sflag:s25] =	ssyncadd.s32 $0xFFFFC000  }
0xc1: {  	[hbm4b:s13+s9] =	stream.linear.scatter [tilespmem:s4], [sflag:$0x3], $0x4000, $0x38;
	[tilespmem:$0x19800] =	vst v63  }
0xc2: {  	_ =	swait.ge [sflag:s25], $0x4000  }
0xc3: {  	[sflag:s25] =	ssyncset.done $0x0  }
0xc4: {  	s14 =	rddreg [dreg:$0xe];
	[sflag:s25] =	ssyncadd.s32 $0xFFFFC000  }
0xc5: {  	[tilespmem:s9], [sflag:$0x3] =	stream.linear.gather [hbm4b:s14+s9], $0x800, $0x38;
	[tilespmem:$0x19800] =	vst v63  }
0xc6: {  	_ =	swait.ge [sflag:s25], $0x800  }
0xc7: {  	[sflag:s25] =	ssyncset.done $0x0  }
0xc8: {  	s15 =	simm.s32 $0x800;
	s16 =	rddreg [dreg:$0xf];
	[sflag:s25] =	ssyncadd.s32 $0xFFFFF800  }
0xc9: {  	[tilespmem:s15], [sflag:$0x3] =	stream.linear.gather [hbm4b:s16+s9], $0x800, $0x38;
	[tilespmem:$0x19800] =	vst v63  }
0xca: {  	_ =	swait.ge [sflag:s25], $0x800  }
0xcb: {  	[sflag:s25] =	ssyncset.done $0x0  }
0xcc: {  	s30 =	simm.s32 $0x1000;
	s31 =	rddreg [dreg:$0x10];
	[sflag:s25] =	ssyncadd.s32 $0xFFFFF800  }
0xcd: {  	[tilespmem:s30], [sflag:$0x3] =	stream.linear.gather [hbm4b:s31+s9], $0x800, $0x38;
	[tilespmem:$0x19800] =	vst v63  }
0xce: {  	_ =	swait.ge [sflag:s25], $0x800  }
0xcf: {  	[sflag:s25] =	ssyncset.done $0x0  }
0xd0: {  	s12 =	sand.u32 $0x7, s9;
	[sflag:s25] =	ssyncadd.s32 $0xFFFFF800  }
0xd1: {  	s28 =	simm.s32 $0x0;
	s10 =	simm.s32 $0x0;
	s12 =	sshll.u32 s12, $0x4;
	v2 =	vld [tilespmem:s15+$0x0]  }
0xd2: {  	s8 =	sand.u32 $0x3C00, s9;
	s11 =	simm.s32 $0x10;
	s7 =	sadd.s32 $0x0, s12;
	v0 =	vld [tilespmem:s30+$0x0]  }
0xd3: {  	s12 =	simm.s32 $0x810;
	s13 =	simm.s32 $0x1010;
	s14 =	simm.s32 $0x0;
	v1 =	vld [tilespmem:s9+$0x0]  }
.LBB2_6:
0xd4: {  	s9 =	sadd.s32 $0x80, s9  }
0xd5: {  	s28 =	sadd.s32 $0x1, s28;
	s14 =	sadd.s32 $0x10, s14;
	s15 =	smov.u32 s11  }
0xd6: {  	p0 =	sne.s32 s11, $0x7F0;
	s11 =	sadd.s32 $0x10, s11;
	s16 =	sand.u32 $0x3C00, s9  }
0xd7: {  	s30 =	sand.u32 $0x7, s28;
	v2 =	vmax.f32 v2, $0.0e+00  }
0xd8: {  	s30 =	sshll.u32 s30, $0x4;
	v2 =	vmin.f32 v2, $1.270000000e+02;
	v0 =	vmax.f32 v0, $0.0e+00  }
0xd9: {  	s30 =	sadd.s32 s30, s9;
	v1 =	vmax.f32 v1, $0.0e+00;
	v3 =	vtrunc.f32 v2;
	v0 =	vmin.f32 v0, $1.270000000e+02  }
0xda: {  	v1 =	vmin.f32 v1, $1.270000000e+02;
	v3 =	vcvt.f32.s32 v3;
	v4 =	vtrunc.f32 v0  }
0xdb: {  	v5 =	vtrunc.f32 v1;
	v4 =	vcvt.f32.s32 v4  }
0xdc: {  	v5 =	vcvt.f32.s32 v5;
	vm0 =	vlt.s32 v3, $0x7E  }
0xdd: {  	v3 =	vnsel vm0, $0x7E, v3;
	vm0 =	vlt.s32 v4, $0x7E  }
0xde: {  	vm1 =	vlt.s32 v5, $0x7E;
	v4 =	vnsel vm0, $0x7E, v4;
	v6 =	vshll.u32 v3, $0x7  }
0xdf: {  	v3 =	vcvt.s32.f32 v3;
	v5 =	vnsel vm1, $0x7E, v5;
	v7 =	vcvt.s32.f32 v4  }
0xe0: {  	s31 =	sand.u32 $0x70, s10;
	s10 =	smov.u32 s15;
	v4 =	vshll.u32 v4, $0xE;
	v8 =	vcvt.s32.f32 v5;
	v5 =	vadd.s32 v5, v6  }
0xe1: {  	s15 =	sor.u32 s31, s8;
	s8 =	smov.u32 s16;
	v2 =	vsub.f32 v2, v3;
	v0 =	vsub.f32 v0, v7;
	v3 =	vadd.s32 v4, v5  }
0xe2: {  	v1 =	vsub.f32 v1, v8;
	[tilespmem:s15+$0x1800] =	vst v3;
	v4 =	vadd.s32 $0x1, v3;
	v5 =	vadd.s32 $0x80, v3  }
0xe3: {  	v6 =	vsub.f32 $1.000000000e+00, v2;
	v7 =	vsub.f32 $1.000000000e+00, v0;
	v8 =	vmul.f32 v0, v2;
	[tilespmem:s15+$0x1880] =	vst v4  }
0xe4: {  	v9 =	vadd.s32 $0x4001, v3;
	v4 =	vadd.s32 $0x81, v3;
	[tilespmem:s15+$0x1900] =	vst v5;
	v5 =	vadd.s32 $0x4000, v3  }
0xe5: {  	v10 =	vsub.f32 $1.000000000e+00, v1;
	v0 =	vmul.f32 v6, v0;
	v11 =	vmul.f32 v7, v6;
	[tilespmem:s15+$0x1A00] =	vst v5  }
0xe6: {  	v2 =	vmul.f32 v7, v2;
	v5 =	vmul.f32 v8, v1;
	[tilespmem:s15+$0x1980] =	vst v4;
	v4 =	vadd.s32 $0x4080, v3  }
0xe7: {  	v7 =	vmul.f32 v0, v10;
	v6 =	vmul.f32 v11, v10;
	[tilespmem:s15+$0x1B00] =	vst v4  }
0xe8: {  	v4 =	vmul.f32 v2, v10;
	v2 =	vmul.f32 v2, v1;
	[tilespmem:s15+$0x1A80] =	vst v9  }
0xe9: {  	v0 =	vmul.f32 v0, v1;
	v9 =	vmul.f32 v11, v1;
	[tilespmem:s15+$0x9800] =	vst v6  }
0xea: {  	v1 =	vmul.f32 v8, v10;
	[tilespmem:s15+$0x9980] =	vst v2  }
0xeb: {  	[tilespmem:s15+$0x9880] =	vst v9  }
0xec: {  	[tilespmem:s15+$0x9A00] =	vst v7  }
0xed: {  	[tilespmem:s15+$0x9A80] =	vst v0  }
0xee: {  	[tilespmem:s15+$0x9B00] =	vst v1  }
0xef: {  	v0 =	vadd.s32 $0x4081, v3;
	[tilespmem:s15+$0x9900] =	vst v4;
	s15 =	sor.u32 $0x380, s7;
	s7 =	smov.u32 s30  }
.Ltmp2:
0xf0: {  	[tilespmem:s15+$0x1800] =	vst v0;
	(pc) =	sbr.rel @p0 .LBB2_6-.Ltmp2, $4  }
0xf1: {  	[tilespmem:s15+$0x9800] =	vst v5  }
0xf2: {  	v2 =	vld [tilespmem:s12+$0x0]  }
0xf3: {  	v0 =	vld [tilespmem:s13+$0x0]  }
0xf4: {  	s12 =	sadd.s32 $0x10, s12;
	s13 =	sadd.s32 $0x10, s13;
	v1 =	vld [tilespmem:s14+$0x0]  }
0xf5: {  	_ =	sdelay $0x1  }
0xf6: {  	v2 =	vmax.f32 v2, $0.0e+00  }
0xf7: {  	v2 =	vmin.f32 v2, $1.270000000e+02;
	v0 =	vmax.f32 v0, $0.0e+00  }
0xf8: {  	v1 =	vmax.f32 v1, $0.0e+00;
	v3 =	vtrunc.f32 v2;
	v0 =	vmin.f32 v0, $1.270000000e+02  }
0xf9: {  	v1 =	vmin.f32 v1, $1.270000000e+02;
	v3 =	vcvt.f32.s32 v3;
	v4 =	vtrunc.f32 v0  }
0xfa: {  	v5 =	vtrunc.f32 v1;
	v4 =	vcvt.f32.s32 v4  }
0xfb: {  	v5 =	vcvt.f32.s32 v5;
	vm0 =	vlt.s32 v3, $0x7E  }
0xfc: {  	v3 =	vnsel vm0, $0x7E, v3;
	vm15 =	vlt.s32 v4, $0x7E  }
0xfd: {  	vm1 =	vlt.s32 v5, $0x7E;
	v4 =	vnsel vm15, $0x7E, v4;
	v6 =	vshll.u32 v3, $0x7  }
0xfe: {  	v3 =	vcvt.s32.f32 v3;
	v5 =	vnsel vm1, $0x7E, v5;
	v7 =	vcvt.s32.f32 v4  }
0xff: {  	s9 =	sand.u32 $0x70, s10;
	v4 =	vshll.u32 v4, $0xE;
	v8 =	vcvt.s32.f32 v5;
	v5 =	vadd.s32 v5, v6  }
0x100: {  	s8 =	sor.u32 s9, s8;
	v2 =	vsub.f32 v2, v3;
	v3 =	vadd.s32 v4, v5  }
0x101: {  	v0 =	vsub.f32 v0, v7;
	[tilespmem:s8+$0x1800] =	vst v3;
	v4 =	vadd.s32 $0x1, v3  }
0x102: {  	v1 =	vsub.f32 v1, v8;
	v5 =	vadd.s32 $0x80, v3;
	v54 =	vsub.f32 $1.000000000e+00, v2;
	[tilespmem:s8+$0x1880] =	vst v4  }
0x103: {  	v55 =	vadd.s32 $0x4000, v3;
	v56 =	vadd.s32 $0x81, v3;
	[tilespmem:s8+$0x1900] =	vst v5  }
0x104: {  	v7 =	vsub.f32 $1.000000000e+00, v0;
	[tilespmem:s8+$0x1A00] =	vst v55;
	v8 =	vsub.f32 $1.000000000e+00, v1;
	v60 =	vmul.f32 v54, v0  }
0x105: {  	v58 =	vadd.s32 $0x4080, v3;
	[tilespmem:s8+$0x1980] =	vst v56;
	v0 =	vmul.f32 v0, v2  }
0x106: {  	v59 =	vadd.s32 $0x4001, v3;
	[tilespmem:s8+$0x1B00] =	vst v58;
	v57 =	vmul.f32 v7, v2;
	v2 =	vmul.f32 v60, v8  }
0x107: {  	[tilespmem:s8+$0x1A80] =	vst v59;
	v9 =	vmul.f32 v7, v54;
	v5 =	vmul.f32 v60, v1  }
0x108: {  	v63 =	vmul.f32 v0, v8;
	[tilespmem:s8+$0x9A00] =	vst v2  }
0x109: {  	v10 =	vmul.f32 v9, v8;
	[tilespmem:s8+$0x9A80] =	vst v5  }
0x10a: {  	v61 =	vmul.f32 v57, v1;
	[tilespmem:s8+$0x9B00] =	vst v63  }
0x10b: {  	v62 =	vmul.f32 v9, v1;
	[tilespmem:s8+$0x9800] =	vst v10  }
0x10c: {  	v2 =	vmul.f32 v57, v8;
	[tilespmem:s8+$0x9980] =	vst v61  }
0x10d: {  	[tilespmem:s8+$0x9880] =	vst v62  }
0x10e: {  	s7 =	sor.u32 $0x380, s7;
	v0 =	vmul.f32 v0, v1;
	v1 =	vadd.s32 $0x4081, v3;
	[tilespmem:s8+$0x9900] =	vst v2  }
0x10f: {  	[tilespmem:s7+$0x1800] =	vst v1  }
0x110: {  	s14 =	simm.s32 $0x1800;
	[tilespmem:s7+$0x9800] =	vst v0  }
0x111: {  	[tilespmem:s29], [sflag:$0x1] =	stream.indirect.gather [hbm4b:s1+s26], $0x1, s14, s26, $0xb8;
	[tilespmem:$0x19800] =	vst v63  }
0x112: {  	_ =	swait.ge [sflag:s5], $0x4000  }
0x113: {  	[sflag:s5] =	ssyncset.done $0x0  }
0x114: {  	s9 =	simm.s32 $0x0;
	s15 =	rddreg [dreg:$0x11];
	[sflag:s5] =	ssyncadd.s32 $0xFFFFC000  }
0x115: {  	[hbm4b:s15+s9] =	stream.linear.scatter [tilespmem:s0], [sflag:$0x3], $0x4000, $0x38;
	[tilespmem:$0x19800] =	vst v63  }
0x116: {  	_ =	swait.ge [sflag:s25], $0x4000  }
0x117: {  	[sflag:s25] =	ssyncset.done $0x0  }
0x118: {  	s16 =	simm.s32 $0x9800;
	[sflag:s25] =	ssyncadd.s32 $0xFFFFC000  }
0x119: {  	[hbm4b:s20+s9] =	stream.linear.scatter [tilespmem:s16], [sflag:$0x3], $0x4000, $0x38;
	[tilespmem:$0x19800] =	vst v63  }
0x11a: {  	_ =	swait.ge [sflag:s25], $0x4000  }
0x11b: {  	[sflag:s25] =	ssyncset.done $0x0  }
0x11c: {  	[sflag:s25] =	ssyncadd.s32 $0xFFFFC000  }
0x11d: {  	[tilespmem:s9], [sflag:$0x3] =	stream.linear.gather [hbm4b:s17+s9], $0x800, $0x38;
	[tilespmem:$0x19800] =	vst v63  }
0x11e: {  	_ =	swait.ge [sflag:s25], $0x800  }
0x11f: {  	[sflag:s25] =	ssyncset.done $0x0  }
0x120: {  	s30 =	simm.s32 $0x800;
	[sflag:s25] =	ssyncadd.s32 $0xFFFFF800  }
0x121: {  	[tilespmem:s30], [sflag:$0x3] =	stream.linear.gather [hbm4b:s18+s9], $0x800, $0x38;
	[tilespmem:$0x19800] =	vst v63  }
0x122: {  	_ =	swait.ge [sflag:s25], $0x800  }
0x123: {  	[sflag:s25] =	ssyncset.done $0x0  }
0x124: {  	s31 =	simm.s32 $0x1000;
	[sflag:s25] =	ssyncadd.s32 $0xFFFFF800  }
0x125: {  	[tilespmem:s31], [sflag:$0x3] =	stream.linear.gather [hbm4b:s19+s9], $0x800, $0x38;
	[tilespmem:$0x19800] =	vst v63  }
0x126: {  	_ =	swait.ge [sflag:s25], $0x800  }
0x127: {  	[sflag:s25] =	ssyncset.done $0x0  }
0x128: {  	s11 =	simm.s32 $0x10;
	[sflag:s25] =	ssyncadd.s32 $0xFFFFF800  }
0x129: {  	s13 =	simm.s32 $0x1010;
	s28 =	simm.s32 $0x0;
	s12 =	sand.u32 $0x7, s9;
	v2 =	vld [tilespmem:s30+$0x0]  }
0x12a: {  	s10 =	simm.s32 $0x0;
	s12 =	sshll.u32 s12, $0x4;
	s8 =	sand.u32 $0x3C00, s9;
	v0 =	vld [tilespmem:s31+$0x0]  }
0x12b: {  	s7 =	sadd.s32 $0x0, s12;
	s12 =	simm.s32 $0x810;
	s14 =	simm.s32 $0x0;
	v1 =	vld [tilespmem:s9+$0x0]  }
.LBB2_8:
0x12c: {  	s9 =	sadd.s32 $0x80, s9  }
0x12d: {  	s28 =	sadd.s32 $0x1, s28;
	s14 =	sadd.s32 $0x10, s14;
	s15 =	smov.u32 s11  }
0x12e: {  	p0 =	sne.s32 s11, $0x7F0;
	s11 =	sadd.s32 $0x10, s11;
	s16 =	sand.u32 $0x3C00, s9  }
0x12f: {  	s30 =	sand.u32 $0x7, s28;
	v2 =	vmax.f32 v2, $0.0e+00  }
0x130: {  	s30 =	sshll.u32 s30, $0x4;
	v2 =	vmin.f32 v2, $1.270000000e+02;
	v0 =	vmax.f32 v0, $0.0e+00  }
0x131: {  	s30 =	sadd.s32 s30, s9;
	v1 =	vmax.f32 v1, $0.0e+00;
	v3 =	vtrunc.f32 v2;
	v0 =	vmin.f32 v0, $1.270000000e+02  }
0x132: {  	v1 =	vmin.f32 v1, $1.270000000e+02;
	v3 =	vcvt.f32.s32 v3;
	v4 =	vtrunc.f32 v0  }
0x133: {  	v5 =	vtrunc.f32 v1;
	v4 =	vcvt.f32.s32 v4  }
0x134: {  	v5 =	vcvt.f32.s32 v5;
	vm0 =	vlt.s32 v3, $0x7E  }
0x135: {  	v3 =	vnsel vm0, $0x7E, v3;
	vm0 =	vlt.s32 v4, $0x7E  }
0x136: {  	vm1 =	vlt.s32 v5, $0x7E;
	v4 =	vnsel vm0, $0x7E, v4;
	v6 =	vshll.u32 v3, $0x7  }
0x137: {  	v3 =	vcvt.s32.f32 v3;
	v5 =	vnsel vm1, $0x7E, v5;
	v7 =	vcvt.s32.f32 v4  }
0x138: {  	s31 =	sand.u32 $0x70, s10;
	s10 =	smov.u32 s15;
	v4 =	vshll.u32 v4, $0xE;
	v8 =	vcvt.s32.f32 v5;
	v5 =	vadd.s32 v5, v6  }
0x139: {  	s15 =	sor.u32 s31, s8;
	s8 =	smov.u32 s16;
	v2 =	vsub.f32 v2, v3;
	v0 =	vsub.f32 v0, v7;
	v3 =	vadd.s32 v4, v5  }
0x13a: {  	v1 =	vsub.f32 v1, v8;
	[tilespmem:s15+$0xD800] =	vst v3;
	v4 =	vadd.s32 $0x1, v3;
	v5 =	vadd.s32 $0x80, v3  }
0x13b: {  	v6 =	vsub.f32 $1.000000000e+00, v2;
	v7 =	vsub.f32 $1.000000000e+00, v0;
	v8 =	vmul.f32 v0, v2;
	[tilespmem:s15+$0xD880] =	vst v4  }
0x13c: {  	v9 =	vadd.s32 $0x4001, v3;
	v4 =	vadd.s32 $0x81, v3;
	[tilespmem:s15+$0xD900] =	vst v5;
	v5 =	vadd.s32 $0x4000, v3  }
0x13d: {  	v10 =	vsub.f32 $1.000000000e+00, v1;
	v0 =	vmul.f32 v6, v0;
	v11 =	vmul.f32 v7, v6;
	[tilespmem:s15+$0xDA00] =	vst v5  }
0x13e: {  	v2 =	vmul.f32 v7, v2;
	v5 =	vmul.f32 v8, v1;
	[tilespmem:s15+$0xD980] =	vst v4;
	v4 =	vadd.s32 $0x4080, v3  }
0x13f: {  	v7 =	vmul.f32 v0, v10;
	v6 =	vmul.f32 v11, v10;
	[tilespmem:s15+$0xDB00] =	vst v4  }
0x140: {  	v4 =	vmul.f32 v2, v10;
	v2 =	vmul.f32 v2, v1;
	[tilespmem:s15+$0xDA80] =	vst v9  }
0x141: {  	v0 =	vmul.f32 v0, v1;
	v9 =	vmul.f32 v11, v1;
	[tilespmem:s15+$0x15800] =	vst v6  }
0x142: {  	v1 =	vmul.f32 v8, v10;
	[tilespmem:s15+$0x15980] =	vst v2  }
0x143: {  	[tilespmem:s15+$0x15880] =	vst v9  }
0x144: {  	[tilespmem:s15+$0x15A00] =	vst v7  }
0x145: {  	[tilespmem:s15+$0x15A80] =	vst v0  }
0x146: {  	[tilespmem:s15+$0x15B00] =	vst v1  }
0x147: {  	v0 =	vadd.s32 $0x4081, v3;
	[tilespmem:s15+$0x15900] =	vst v4;
	s15 =	sor.u32 $0x380, s7;
	s7 =	smov.u32 s30  }
.Ltmp3:
0x148: {  	[tilespmem:s15+$0xD800] =	vst v0;
	(pc) =	sbr.rel @p0 .LBB2_8-.Ltmp3, $4  }
0x149: {  	[tilespmem:s15+$0x15800] =	vst v5  }
0x14a: {  	v2 =	vld [tilespmem:s12+$0x0]  }
0x14b: {  	v0 =	vld [tilespmem:s13+$0x0]  }
0x14c: {  	s12 =	sadd.s32 $0x10, s12;
	s13 =	sadd.s32 $0x10, s13;
	v1 =	vld [tilespmem:s14+$0x0]  }
0x14d: {  	_ =	sdelay $0x1  }
0x14e: {  	v2 =	vmax.f32 v2, $0.0e+00  }
0x14f: {  	v2 =	vmin.f32 v2, $1.270000000e+02;
	v0 =	vmax.f32 v0, $0.0e+00  }
0x150: {  	v1 =	vmax.f32 v1, $0.0e+00;
	v3 =	vtrunc.f32 v2;
	v0 =	vmin.f32 v0, $1.270000000e+02  }
0x151: {  	v1 =	vmin.f32 v1, $1.270000000e+02;
	v3 =	vcvt.f32.s32 v3;
	v4 =	vtrunc.f32 v0  }
0x152: {  	v5 =	vtrunc.f32 v1;
	v4 =	vcvt.f32.s32 v4  }
0x153: {  	v5 =	vcvt.f32.s32 v5;
	vm0 =	vlt.s32 v3, $0x7E  }
0x154: {  	v3 =	vnsel vm0, $0x7E, v3;
	vm15 =	vlt.s32 v4, $0x7E  }
0x155: {  	vm1 =	vlt.s32 v5, $0x7E;
	v4 =	vnsel vm15, $0x7E, v4;
	v6 =	vshll.u32 v3, $0x7  }
0x156: {  	v3 =	vcvt.s32.f32 v3;
	v5 =	vnsel vm1, $0x7E, v5;
	v7 =	vcvt.s32.f32 v4  }
0x157: {  	s9 =	sand.u32 $0x70, s10;
	v4 =	vshll.u32 v4, $0xE;
	v8 =	vcvt.s32.f32 v5;
	v5 =	vadd.s32 v5, v6  }
0x158: {  	s8 =	sor.u32 s9, s8;
	v2 =	vsub.f32 v2, v3;
	v50 =	vadd.s32 v4, v5  }
0x159: {  	v0 =	vsub.f32 v0, v7;
	[tilespmem:s8+$0xD800] =	vst v50;
	v4 =	vadd.s32 $0x1, v50  }
0x15a: {  	v1 =	vsub.f32 v1, v8;
	v5 =	vadd.s32 $0x80, v50;
	v51 =	vsub.f32 $1.000000000e+00, v2;
	[tilespmem:s8+$0xD880] =	vst v4  }
0x15b: {  	v52 =	vadd.s32 $0x4000, v50;
	[tilespmem:s8+$0xD900] =	vst v5  }
0x15c: {  	v53 =	vadd.s32 $0x81, v50;
	[tilespmem:s8+$0xDA00] =	vst v52;
	v8 =	vsub.f32 $1.000000000e+00, v1;
	v57 =	vmul.f32 v51, v0  }
0x15d: {  	v55 =	vadd.s32 $0x4080, v50;
	v7 =	vsub.f32 $1.000000000e+00, v0;
	[tilespmem:s8+$0xD980] =	vst v53  }
0x15e: {  	v56 =	vadd.s32 $0x4001, v50;
	[tilespmem:s8+$0xDB00] =	vst v55;
	v0 =	vmul.f32 v0, v2;
	v60 =	vmul.f32 v57, v8  }
0x15f: {  	[tilespmem:s8+$0xDA80] =	vst v56;
	v9 =	vmul.f32 v7, v51;
	v5 =	vmul.f32 v57, v1  }
0x160: {  	v54 =	vmul.f32 v7, v2;
	v61 =	vmul.f32 v0, v8;
	[tilespmem:s8+$0x15A00] =	vst v60  }
0x161: {  	v10 =	vmul.f32 v9, v8;
	[tilespmem:s8+$0x15A80] =	vst v5  }
0x162: {  	v58 =	vmul.f32 v54, v1;
	[tilespmem:s8+$0x15B00] =	vst v61  }
0x163: {  	v59 =	vmul.f32 v9, v1;
	[tilespmem:s8+$0x15800] =	vst v10  }
0x164: {  	v62 =	vmul.f32 v54, v8;
	[tilespmem:s8+$0x15980] =	vst v58  }
0x165: {  	[tilespmem:s8+$0x15880] =	vst v59  }
0x166: {  	s7 =	sor.u32 $0x380, s7;
	v63 =	vadd.s32 $0x4081, v50;
	v0 =	vmul.f32 v0, v1;
	[tilespmem:s8+$0x15900] =	vst v62  }
0x167: {  	[tilespmem:s7+$0xD800] =	vst v63  }
0x168: {  	s31 =	simm.s32 $0xD800;
	[tilespmem:s7+$0x15800] =	vst v0  }
0x169: {  	[tilespmem:s0], [sflag:$0x2] =	stream.indirect.gather [hbm4b:s1+s26], $0x1, s31, s26, $0xb8;
	[tilespmem:$0x19800] =	vst v63  }
0x16a: {  	_ =	swait.ge [sflag:s3], $0x4000  }
0x16b: {  	[sflag:s3] =	ssyncset.done $0x0  }
0x16c: {  	[sflag:s3] =	ssyncadd.s32 $0xFFFFC000  }
0x16d: {  	[hbm4b:s21+s2] =	stream.linear.scatter [tilespmem:s29], [sflag:$0x3], $0x4000, $0x38;
	[tilespmem:$0x19800] =	vst v63  }
0x16e: {  	_ =	swait.ge [sflag:s25], $0x4000  }
0x16f: {  	[sflag:s25] =	ssyncset.done $0x0  }
0x170: {  	[sflag:s25] =	ssyncadd.s32 $0xFFFFC000  }
0x171: {  	[hbm4b:s22+s2] =	stream.linear.scatter [tilespmem:s4], [sflag:$0x3], $0x4000, $0x38;
	[tilespmem:$0x19800] =	vst v63  }
0x172: {  	_ =	swait.ge [sflag:s25], $0x4000  }
0x173: {  	[sflag:s25] =	ssyncset.done $0x0  }
0x174: {  	[sflag:s25] =	ssyncadd.s32 $0xFFFFC000  }
0x175: {  	s6 =	sadd.s32 $0x1, s6;
	_ =	swait.ge [sflag:s5], $0x4000  }
0x176: {  	p0 =	sne.s32 s6, s24;
	[sflag:s5] =	ssyncset.done $0x0  }
.Ltmp4:
0x177: {  	[sflag:s5] =	ssyncadd.s32 $0xFFFFC000;
	(pc) =	sbr.rel @p0 .LBB2_1-.Ltmp4, $4  }
0x178: {  	[hbm4b:s23+s2] =	stream.linear.scatter [tilespmem:s0], [sflag:$0x3], $0x4000, $0x38;
	[tilespmem:$0x19800] =	vst v63  }
0x179: {  	_ =	swait.ge [sflag:s25], $0x4000  }
0x17a: {  	[sflag:s25] =	ssyncset.done $0x0  }
0x17b: {  	[sflag:s25] =	ssyncadd.s32 $0xFFFFC000  }
0x17c: {  	_ =	sfence.sel $0x180000  }
0x17d: {  	[bflag:$0x0] =	sbarrier.arrive $0xFFFF  }
0x17e: {  	_ =	strace $0x90000047  }
0x17f: {  	s0 =	stileid.u32;
	[bflag:$0x2] =	sbarrier.arrive $0xFFFF  }
0x180: {  	p0 =	sne.s32 s0, $0x0;
	s0 =	rddreg [dreg:$0x4]  }
0x181: {  	s0 =	sadd.s32 @!p0 $0x100000, s0  }
0x182: {  	[sflag:s0] =	ssyncadd.tile.s32 @!p0 $0x1;
	_ =	shalt  }
.Lfunc_end2:
_tile_overlayer_lowered:
.L_overlay_start_2:
0x183: {  	(tag) =	ssettag $0x2  }
0x184: {  	s0 =	rddreg [dreg:$0x0];
	s2 =	stileid.u32  }
0x185: {  	s1 =	rddreg [dreg:$0x1];
	p0 =	sne.s32 s2, $0x0  }
0x186: {  	s3 =	rddreg [dreg:$0x2];
	[bflag:$0x3] =	sbarrier.arrive $0xFFFF;
	s2 =	simm.s32 @!p0 $0x1C03  }
0x187: {  	[timem:s3], [sflag:s2] =	dma.local @!p0 [hbm:s0], s1  }
0x188: {  	s0 =	simm.s32 @!p0 $0x3  }
0x189: {  	_ =	swait.ge @!p0 [sflag:s0], s1  }
0x18a: {  	s1 =	ssub.s32 @!p0 $0x0, s1;
	[sflag:s0] =	ssyncset.done @!p0 $0x0  }
0x18b: {  	[sflag:s0] =	ssyncadd.s32 @!p0 s1  }
0x18c: {  	[bflag:$0x3] =	sbarrier.arrive $0xFFFF  }
0x18d: {  	_ =	shalt  }

</sc_bundles>
